<compile_context>
chip_gen: v7x
topology: tpu7x:2x2x1
jax: 0.10.2.dev20260603
libtpu: 0.0.44.dev20260713+nightly
codegen_flags: <defaults>
</compile_context>

<pallas_src>
import functools

import jax
import jax.numpy as jnp
from jax import lax
from jax.experimental import pallas as pl
from jax.experimental.pallas import tpu as pltpu
from jax.experimental.pallas import tpu_sc as plsc

N, C_IN, C_OUT, HEADS, G = 100000, 128, 128, 1, 1024
B = 8192
NB = -(-N // B)
NPAD = NB * B
W = 128
NEG = -1e30

SUBS = 16
CH = NPAD // SUBS
TS = CH // 16
GP = 1040


def _kern_a(x_ref, wg1_ref, wg2_ref, w1_ref, b1_ref,
            alpha_ref, m_ref, u_ref, m_scr):
    i = pl.program_id(0)

    @pl.when(i == 0)
    def _():
        m_scr[...] = jnp.full((1, 128), NEG, jnp.float32)

    x = x_ref[...]
    a1 = jnp.maximum(jnp.dot(x, wg1_ref[...],
                             preferred_element_type=jnp.float32), 0.0)
    alphaT = lax.dot_general(wg2_ref[...], a1, (((0,), (1,)), ((), ())),
                             preferred_element_type=jnp.float32)
    alpha_ref[0] = alphaT
    m_scr[...] = jnp.maximum(m_scr[...], jnp.max(alphaT))
    u = jnp.maximum(jnp.dot(x, w1_ref[...],
                            preferred_element_type=jnp.float32)
                    + b1_ref[...], 0.0)
    u_ref[...] = u.astype(jnp.bfloat16)

    @pl.when(i == NB - 1)
    def _():
        m_ref[...] = m_scr[...]


def _sc_body(alpha_hbm, batch_hbm, m_hbm, d_hbm, a_v, b_v, priv, loc, comb,
             dfin, mv, shared):
    sid = lax.axis_index("s")
    lane = lax.broadcasted_iota(jnp.int32, (16,), 0)
    base = sid * CH

    pltpu.sync_copy(alpha_hbm.at[pl.ds(base, CH)], a_v)
    pltpu.sync_copy(batch_hbm.at[pl.ds(base, CH)], b_v)
    pltpu.sync_copy(m_hbm.at[pl.ds(0, 16)], mv)
    M = mv[pl.ds(0, 16)]

    def z(k, _):
        priv[pl.ds(k * 16, 16)] = jnp.zeros((16,), jnp.float32)
        return 0
    lax.fori_loop(0, SUBS * GP // 16, z, 0)

    def ph2(t, _):
        b = b_v[pl.ds(t * 16, 16)]
        a = a_v[pl.ds(t * 16, 16)]
        e = jnp.exp(a - M)
        plsc.addupdate_scatter(priv, [lane * GP + b], e)
        return 0
    lax.fori_loop(0, TS, ph2, 0)

    def red(j, _):
        acc = jnp.zeros((16,), jnp.float32)
        for l in range(SUBS):
            acc = acc + priv[pl.ds(l * GP + j * 16, 16)]
        loc[pl.ds(j * 16, 16)] = acc
        return 0
    lax.fori_loop(0, GP // 16, red, 0)

    plsc.subcore_barrier()
    pltpu.sync_copy(loc, shared.at[sid])
    plsc.subcore_barrier()
    pltpu.sync_copy(shared, comb)

    def red2(j, _):
        acc = jnp.zeros((16,), jnp.float32)
        for s2 in range(SUBS):
            acc = acc + comb[s2, pl.ds(j * 16, 16)]
        dfin[pl.ds(j * 16, 16)] = acc
        return 0
    lax.fori_loop(0, GP // 16, red2, 0)

    @pl.when(sid == 0)
    def _():
        pltpu.sync_copy(dfin.at[pl.ds(0, G)], d_hbm)


def _sc_stats(alpha, batch, m_arr):
    mesh = plsc.VectorSubcoreMesh(core_axis_name="c", subcore_axis_name="s",
                                  num_cores=1)
    f = functools.partial(
        pl.kernel, mesh=mesh,
        compiler_params=pltpu.CompilerParams(needs_layout_passes=False),
        out_type=[jax.ShapeDtypeStruct((G,), jnp.float32)],
        scratch_types=[
            pltpu.VMEM((CH,), jnp.float32),
            pltpu.VMEM((CH,), jnp.int32),
            pltpu.VMEM((SUBS * GP,), jnp.float32),
            pltpu.VMEM((GP,), jnp.float32),
            pltpu.VMEM((SUBS, GP), jnp.float32),
            pltpu.VMEM((GP,), jnp.float32),
            pltpu.VMEM((16,), jnp.float32),
            pltpu.VMEM_SHARED((SUBS, GP), jnp.float32),
        ],
    )(_sc_body)
    (d,) = f(alpha, batch, m_arr)
    return d


def _kern_b(bases_ref, oks_ref, ms_ref, u_ref, batch_ref, alpha_ref, d_ref,
            w2_ref, b2_ref, out_ref, acc_scr):
    i = pl.program_id(0)

    @pl.when(i == 0)
    def _():
        acc_scr[...] = jnp.zeros((G, C_OUT), jnp.float32)

    ub = u_ref[...]
    e_row = jnp.exp(alpha_ref[0] - ms_ref[0])
    batch_row = batch_ref[0]

    def upd(base, w):
        iot = lax.broadcasted_iota(jnp.int32, (w, B), 0) + base
        wm = jnp.where(iot == batch_row, e_row, 0.0)
        acc_scr[pl.ds(base, w), :] += jnp.dot(wm.astype(jnp.bfloat16), ub,
                                              preferred_element_type=jnp.float32)

    ok = oks_ref[i] != 0

    @pl.when(ok)
    def _():
        upd(bases_ref[i], W)

    @pl.when(jnp.logical_not(ok))
    def _():
        upd(0, G)

    @pl.when(i == NB - 1)
    def _():
        d = d_ref[...]
        dsafe = d + 1e-16
        out_ref[...] = (jnp.dot(acc_scr[...], w2_ref[...],
                                preferred_element_type=jnp.float32) / dsafe
                        + b2_ref[...] * (d / dsafe))


@functools.partial(jax.jit, static_argnames=("interpret",))
def _run(x, batch, Wg1, Wg2, W1, b1, W2, b2, interpret=False):
    batch = batch.astype(jnp.int32)
    xp = jnp.pad(x, ((0, NPAD - N), (0, 0)))
    bp = jnp.pad(batch, (0, NPAD - N), constant_values=G)
    batch_r = bp.reshape(NB, 1, B)

    r = jnp.arange(NB)
    first = batch[r * B]
    last = batch[jnp.minimum((r + 1) * B - 1, N - 1)]
    bases = jnp.minimum(first - (first % 8), G - W).astype(jnp.int32)
    oks = (last < bases + W).astype(jnp.int32)

    alpha, m_arr, ub = pl.pallas_call(
        _kern_a,
        grid=(NB,),
        in_specs=[
            pl.BlockSpec((B, C_IN), lambda i: (i, 0)),
            pl.BlockSpec((C_IN, C_IN), lambda i: (0, 0)),
            pl.BlockSpec((C_IN, 1), lambda i: (0, 0)),
            pl.BlockSpec((C_IN, C_OUT), lambda i: (0, 0)),
            pl.BlockSpec((1, C_OUT), lambda i: (0, 0)),
        ],
        out_specs=[
            pl.BlockSpec((1, 1, B), lambda i: (i, 0, 0)),
            pl.BlockSpec((1, 128), lambda i: (0, 0)),
            pl.BlockSpec((B, C_OUT), lambda i: (i, 0)),
        ],
        out_shape=[
            jax.ShapeDtypeStruct((NB, 1, B), jnp.float32),
            jax.ShapeDtypeStruct((1, 128), jnp.float32),
            jax.ShapeDtypeStruct((NPAD, C_OUT), jnp.bfloat16),
        ],
        scratch_shapes=[pltpu.VMEM((1, 128), jnp.float32)],
        compiler_params=pltpu.CompilerParams(
            dimension_semantics=("arbitrary",)),
        interpret=interpret,
    )(xp, Wg1, Wg2, W1, b1.reshape(1, C_OUT))

    d = _sc_stats(alpha.reshape(NPAD), bp, m_arr.reshape(128)).reshape(G, 1)
    ms = m_arr.reshape(128)[0:1]

    smem = pl.BlockSpec(memory_space=pltpu.SMEM)
    out = pl.pallas_call(
        _kern_b,
        grid=(NB,),
        in_specs=[
            smem, smem, smem,
            pl.BlockSpec((B, C_OUT), lambda i: (i, 0)),
            pl.BlockSpec((1, 1, B), lambda i: (i, 0, 0)),
            pl.BlockSpec((1, 1, B), lambda i: (i, 0, 0)),
            pl.BlockSpec((G, 1), lambda i: (0, 0)),
            pl.BlockSpec((C_OUT, C_OUT), lambda i: (0, 0)),
            pl.BlockSpec((1, C_OUT), lambda i: (0, 0)),
        ],
        out_specs=pl.BlockSpec((G, C_OUT), lambda i: (0, 0)),
        out_shape=jax.ShapeDtypeStruct((G, C_OUT), jnp.float32),
        scratch_shapes=[pltpu.VMEM((G, C_OUT), jnp.float32)],
        compiler_params=pltpu.CompilerParams(
            dimension_semantics=("arbitrary",)),
        interpret=interpret,
    )(bases, oks, ms, ub, batch_r, alpha, d,
      W2, b2.reshape(1, C_OUT))

    return out.reshape(G, C_OUT, HEADS)


def kernel(x, batch, Wg1, Wg2, W1, b1, W2, b2):
    return _run(x, batch, Wg1, Wg2, W1, b1, W2, b2)

# --- scband reference (transcript-rebuilt; emitter-appended) ---
"""Pipeline reference for scband-global-multi-head-attention-41523743818190 (READ-ONLY COPY).

The authoritative reference and input builder live on the scoring server;
editing this copy changes nothing except your own understanding.
"""

import jax, jax.numpy as jnp
import numpy as np

N, C_IN, C_OUT, HEADS, G = 100000, 128, 128, 1, 1024

def setup_inputs(seed: int = 0):
    key = jax.random.key(seed)
    ks = jax.random.split(key, 8)
    x = jax.random.normal(ks[0], (N, C_IN), dtype=jnp.float32)
    batch = jnp.sort(jax.random.randint(ks[1], (N,), 0, G))
    Wg1 = jax.random.normal(ks[2], (C_IN, C_IN), dtype=jnp.float32) / np.sqrt(C_IN)
    Wg2 = jax.random.normal(ks[3], (C_IN, HEADS), dtype=jnp.float32) / np.sqrt(C_IN)
    W1 = jax.random.normal(ks[4], (C_IN, C_OUT), dtype=jnp.float32) / np.sqrt(C_IN)
    b1 = jnp.zeros((C_OUT,), dtype=jnp.float32)
    W2 = jax.random.normal(ks[5], (C_OUT, C_OUT), dtype=jnp.float32) / np.sqrt(C_OUT)
    b2 = jnp.zeros((C_OUT,), dtype=jnp.float32)
    return {'x': x, 'batch': batch, 'Wg1': Wg1, 'Wg2': Wg2, 'W1': W1, 'b1': b1, 'W2': W2, 'b2': b2}

def _segment_softmax(alpha, batch, size):
    m = jax.ops.segment_max(alpha, batch, num_segments=size)
    m = jnp.where(jnp.isfinite(m), m, 0.0)
    m = jax.lax.stop_gradient(m)
    e = jnp.exp(alpha - m[batch])
    denom = jax.ops.segment_sum(e, batch, num_segments=size)
    return e / (denom[batch] + 1e-16)

def reference(x, batch, Wg1, Wg2, W1, b1, W2, b2):
    # size = batch[-1].item() + 1
    size = G
    # gate_nn: Linear(C_IN->C_IN, no bias) -> ReLU -> Linear(C_IN->HEADS, no bias)
    alpha = jnp.maximum(x @ Wg1, 0.0) @ Wg2            # [N, HEADS]
    alpha = alpha.reshape(-1, 1, HEADS)                 # [N, 1, HEADS]
    # nn: MLP([C_IN, C_OUT, C_OUT]) = Linear -> ReLU -> Linear (last nonlin dropped)
    h = jnp.maximum(x @ W1 + b1, 0.0) @ W2 + b2         # [N, C_OUT]
    h = h.reshape(-1, C_OUT, HEADS)                     # [N, C_OUT, HEADS] (valid for HEADS=1)
    # softmax over nodes within each graph (per head)
    gate = _segment_softmax(alpha, batch, size)         # [N, 1, HEADS]
    # scatter_add(gate * x, batch, dim=0, dim_size=size)
    out = jax.ops.segment_sum(gate * h, batch, num_segments=size)  # [size, C_OUT, HEADS]
    return out

if __name__ == "__main__":
    import jax
    _d = setup_inputs()
    print(jax.jit(kernel)(*tuple(_d.values())))

</pallas_src>

<mosaic_0001>
#map = affine_map<(d0, d1) -> (0)>
module attributes {stable_mosaic.version = 14 : i64} {
  func.func @_sc_body(%arg0: i32, %arg1: i32, %arg2: memref<106496xf32, #tpu.memory_space<hbm>>, %arg3: memref<106496xi32, #tpu.memory_space<hbm>>, %arg4: memref<128xf32, #tpu.memory_space<hbm>>, %arg5: memref<1024xf32, #tpu.memory_space<hbm>>, %arg6: memref<6656xf32, #tpu.memory_space<vmem>>, %arg7: memref<6656xi32, #tpu.memory_space<vmem>>, %arg8: memref<16640xf32, #tpu.memory_space<vmem>>, %arg9: memref<1040xf32, #tpu.memory_space<vmem>>, %arg10: memref<16x1040xf32, #tpu.memory_space<vmem>>, %arg11: memref<1040xf32, #tpu.memory_space<vmem>>, %arg12: memref<16xf32, #tpu.memory_space<vmem>>, %arg13: memref<16x1040xf32, #tpu.memory_space<vmem_shared>>) attributes {dimension_semantics = [#tpu.dimension_semantics<core_parallel>, #tpu.dimension_semantics<subcore_parallel>], iteration_bounds = array<i64: 1, 16>, scalar_prefetch = 0 : i64, scratch_operands = 8 : i64, tpu.core_type = #tpu.core_type<sc_vector_subcore>, window_params = [{transform_indices = #map}, {transform_indices = #map}, {transform_indices = #map}, {transform_indices = #map}]} {
    %iota3A = tpu.iota {dimensions = array<i32: 0>} : vector<16xi32>
    %mul3A = arith.constant 6656 : i32
    %mul3A_0 = arith.muli %arg1, %mul3A : i32
    "tpu.region"() ({
      %run_scoped3A = tpu.sem_alloc : memref<!tpu.dma_semaphore, #tpu.memory_space<semaphore_mem>>
      %dma_start3A = tpu.memref_slice %arg2[%mul3A_0] : memref<106496xf32, #tpu.memory_space<hbm>> -> memref<6656xf32, #tpu.memory_space<hbm>>
      %dma_start3A_32 = tpu.memref_slice %arg2[%mul3A_0] : memref<106496xf32, #tpu.memory_space<hbm>> -> memref<6656xf32, #tpu.memory_space<hbm>>
      tpu.enqueue_dma source(%dma_start3A_32 : memref<6656xf32, #tpu.memory_space<hbm>>) target(%arg6 : memref<6656xf32, #tpu.memory_space<vmem>>) target_semaphore(%run_scoped3A : memref<!tpu.dma_semaphore, #tpu.memory_space<semaphore_mem>>)
      %dma_wait3A = tpu.memref_slice %arg2[%mul3A_0] : memref<106496xf32, #tpu.memory_space<hbm>> -> memref<6656xf32, #tpu.memory_space<hbm>>
      %dma_wait3A_33 = tpu.memref_slice %arg2[%mul3A_0] : memref<106496xf32, #tpu.memory_space<hbm>> -> memref<6656xf32, #tpu.memory_space<hbm>>
      tpu.wait_dma2 semaphore(%run_scoped3A : memref<!tpu.dma_semaphore, #tpu.memory_space<semaphore_mem>>) src(%dma_wait3A_33 : memref<6656xf32, #tpu.memory_space<hbm>>) dst(%arg6 : memref<6656xf32, #tpu.memory_space<vmem>>)
      tpu.yield
    }) : () -> ()
    "tpu.region"() ({
      %run_scoped3A = tpu.sem_alloc : memref<!tpu.dma_semaphore, #tpu.memory_space<semaphore_mem>>
      %dma_start3A = tpu.memref_slice %arg3[%mul3A_0] : memref<106496xi32, #tpu.memory_space<hbm>> -> memref<6656xi32, #tpu.memory_space<hbm>>
      %dma_start3A_32 = tpu.memref_slice %arg3[%mul3A_0] : memref<106496xi32, #tpu.memory_space<hbm>> -> memref<6656xi32, #tpu.memory_space<hbm>>
      tpu.enqueue_dma source(%dma_start3A_32 : memref<6656xi32, #tpu.memory_space<hbm>>) target(%arg7 : memref<6656xi32, #tpu.memory_space<vmem>>) target_semaphore(%run_scoped3A : memref<!tpu.dma_semaphore, #tpu.memory_space<semaphore_mem>>)
      %dma_wait3A = tpu.memref_slice %arg3[%mul3A_0] : memref<106496xi32, #tpu.memory_space<hbm>> -> memref<6656xi32, #tpu.memory_space<hbm>>
      %dma_wait3A_33 = tpu.memref_slice %arg3[%mul3A_0] : memref<106496xi32, #tpu.memory_space<hbm>> -> memref<6656xi32, #tpu.memory_space<hbm>>
      tpu.wait_dma2 semaphore(%run_scoped3A : memref<!tpu.dma_semaphore, #tpu.memory_space<semaphore_mem>>) src(%dma_wait3A_33 : memref<6656xi32, #tpu.memory_space<hbm>>) dst(%arg7 : memref<6656xi32, #tpu.memory_space<vmem>>)
      tpu.yield
    }) : () -> ()
    "tpu.region"() ({
      %run_scoped3A = tpu.sem_alloc : memref<!tpu.dma_semaphore, #tpu.memory_space<semaphore_mem>>
      %dma_start3A = arith.constant 0 : i32
      %dma_start3A_32 = tpu.memref_slice %arg4[%dma_start3A] : memref<128xf32, #tpu.memory_space<hbm>> -> memref<16xf32, #tpu.memory_space<hbm>>
      %dma_start3A_33 = arith.constant 0 : i32
      %dma_start3A_34 = tpu.memref_slice %arg4[%dma_start3A_33] : memref<128xf32, #tpu.memory_space<hbm>> -> memref<16xf32, #tpu.memory_space<hbm>>
      tpu.enqueue_dma source(%dma_start3A_34 : memref<16xf32, #tpu.memory_space<hbm>>) target(%arg12 : memref<16xf32, #tpu.memory_space<vmem>>) target_semaphore(%run_scoped3A : memref<!tpu.dma_semaphore, #tpu.memory_space<semaphore_mem>>)
      %dma_wait3A = arith.constant 0 : i32
      %dma_wait3A_35 = tpu.memref_slice %arg4[%dma_wait3A] : memref<128xf32, #tpu.memory_space<hbm>> -> memref<16xf32, #tpu.memory_space<hbm>>
      %dma_wait3A_36 = arith.constant 0 : i32
      %dma_wait3A_37 = tpu.memref_slice %arg4[%dma_wait3A_36] : memref<128xf32, #tpu.memory_space<hbm>> -> memref<16xf32, #tpu.memory_space<hbm>>
      tpu.wait_dma2 semaphore(%run_scoped3A : memref<!tpu.dma_semaphore, #tpu.memory_space<semaphore_mem>>) src(%dma_wait3A_37 : memref<16xf32, #tpu.memory_space<hbm>>) dst(%arg12 : memref<16xf32, #tpu.memory_space<vmem>>)
      tpu.yield
    }) : () -> ()
    %get3A = arith.constant 0 : index
    %get3A_1 = tpu.vector_load %arg12[%get3A] {strides = array<i32>} : memref<16xf32, #tpu.memory_space<vmem>>, vector<16xf32>,
    %scan3A = arith.constant 0 : i32
    %scan3A_2 = arith.constant 0 : i32
    %scan3A_3 = arith.constant 1040 : i32
    %scan3A_4 = arith.addi %scan3A_2, %scan3A_3 : i32
    %scan3A_5 = arith.constant 1 : i32
    %scan3A_6 = scf.for %scan3A_32 = %scan3A_2 to %scan3A_4 step %scan3A_5 iter_args(%scan3A_33 = %scan3A) -> (i32)  : i32 {
      %broadcast_in_dim3A = arith.constant 0.000000e+00 : f32
      %broadcast_in_dim3A_34 = vector.broadcast %broadcast_in_dim3A : f32 to vector<16xf32>
      %mul3A_35 = arith.constant 16 : i32
      %mul3A_36 = arith.muli %scan3A_32, %mul3A_35 : i32
      %swap3A = arith.index_cast %mul3A_36 : i32 to index
      %swap3A_37 = tpu.vector_load %arg8[%swap3A] {strides = array<i32>} : memref<16640xf32, #tpu.memory_space<vmem>>, vector<16xf32>,
      tpu.vector_store %arg8[%swap3A], %broadcast_in_dim3A_34 {strides = array<i32>} : memref<16640xf32, #tpu.memory_space<vmem>>, vector<16xf32>,
      %scan3A_38 = arith.constant 0 : i32
      scf.yield %scan3A_38 : i32
    }
    %scan3A_7 = arith.constant 1040 : i32
    %scan3A_8 = arith.constant 0 : i32
    %scan3A_9 = arith.constant 0 : i32
    %scan3A_10 = arith.constant 416 : i32
    %scan3A_11 = arith.addi %scan3A_9, %scan3A_10 : i32
    %scan3A_12 = arith.constant 1 : i32
    %scan3A_13 = scf.for %scan3A_32 = %scan3A_9 to %scan3A_11 step %scan3A_12 iter_args(%scan3A_33 = %scan3A_8) -> (i32)  : i32 {
      %mul3A_34 = arith.constant 16 : i32
      %mul3A_35 = arith.muli %scan3A_32, %mul3A_34 : i32
      %get3A_36 = arith.index_cast %mul3A_35 : i32 to index
      %get3A_37 = tpu.vector_load %arg7[%get3A_36] {strides = array<i32>} : memref<6656xi32, #tpu.memory_space<vmem>>, vector<16xi32>,
      %mul3A_38 = arith.constant 16 : i32
      %mul3A_39 = arith.muli %scan3A_32, %mul3A_38 : i32
      %get3A_40 = arith.index_cast %mul3A_39 : i32 to index
      %get3A_41 = tpu.vector_load %arg6[%get3A_40] {strides = array<i32>} : memref<6656xf32, #tpu.memory_space<vmem>>, vector<16xf32>,
      %sub3A = arith.subf %get3A_41, %get3A_1 : vector<16xf32>
      %exp3A = math.exp %sub3A : vector<16xf32>
      %mul3A_42 = arith.constant 1040 : i32
      %mul3A_43 = vector.broadcast %mul3A_42 : i32 to vector<16xi32>
      %mul3A_44 = arith.muli %iota3A, %mul3A_43 : vector<16xi32>
      %add3A = arith.addi %mul3A_44, %get3A_37 : vector<16xi32>
      tpu.vector_store_idx %arg8[%add3A], %exp3A {add = true} : memref<16640xf32, #tpu.memory_space<vmem>>[vector<16xi32>], vector<16xf32>,
      %scan3A_45 = arith.constant 0 : i32
      scf.yield %scan3A_45 : i32
    }
    %scan3A_14 = arith.constant 416 : i32
    %scan3A_15 = arith.constant 0 : i32
    %scan3A_16 = arith.constant 0 : i32
    %scan3A_17 = arith.constant 65 : i32
    %scan3A_18 = arith.addi %scan3A_16, %scan3A_17 : i32
    %scan3A_19 = arith.constant 1 : i32
    %scan3A_20 = scf.for %scan3A_32 = %scan3A_16 to %scan3A_18 step %scan3A_19 iter_args(%scan3A_33 = %scan3A_15) -> (i32)  : i32 {
      %broadcast_in_dim3A = arith.constant 0.000000e+00 : f32
      %broadcast_in_dim3A_34 = vector.broadcast %broadcast_in_dim3A : f32 to vector<16xf32>
      %mul3A_35 = arith.constant 16 : i32
      %mul3A_36 = arith.muli %scan3A_32, %mul3A_35 : i32
      %add3A = arith.constant 0 : i32
      %add3A_37 = arith.addi %add3A, %mul3A_36 : i32
      %get3A_38 = arith.index_cast %add3A_37 : i32 to index
      %get3A_39 = tpu.vector_load %arg8[%get3A_38] {strides = array<i32>} : memref<16640xf32, #tpu.memory_space<vmem>>, vector<16xf32>,
      %add3A_40 = arith.addf %broadcast_in_dim3A_34, %get3A_39 : vector<16xf32>
      %mul3A_41 = arith.constant 16 : i32
      %mul3A_42 = arith.muli %scan3A_32, %mul3A_41 : i32
      %add3A_43 = arith.constant 1040 : i32
      %add3A_44 = arith.addi %add3A_43, %mul3A_42 : i32
      %get3A_45 = arith.index_cast %add3A_44 : i32 to index
      %get3A_46 = tpu.vector_load %arg8[%get3A_45] {strides = array<i32>} : memref<16640xf32, #tpu.memory_space<vmem>>, vector<16xf32>,
      %add3A_47 = arith.addf %add3A_40, %get3A_46 : vector<16xf32>
      %mul3A_48 = arith.constant 16 : i32
      %mul3A_49 = arith.muli %scan3A_32, %mul3A_48 : i32
      %add3A_50 = arith.constant 2080 : i32
      %add3A_51 = arith.addi %add3A_50, %mul3A_49 : i32
      %get3A_52 = arith.index_cast %add3A_51 : i32 to index
      %get3A_53 = tpu.vector_load %arg8[%get3A_52] {strides = array<i32>} : memref<16640xf32, #tpu.memory_space<vmem>>, vector<16xf32>,
      %add3A_54 = arith.addf %add3A_47, %get3A_53 : vector<16xf32>
      %mul3A_55 = arith.constant 16 : i32
      %mul3A_56 = arith.muli %scan3A_32, %mul3A_55 : i32
      %add3A_57 = arith.constant 3120 : i32
      %add3A_58 = arith.addi %add3A_57, %mul3A_56 : i32
      %get3A_59 = arith.index_cast %add3A_58 : i32 to index
      %get3A_60 = tpu.vector_load %arg8[%get3A_59] {strides = array<i32>} : memref<16640xf32, #tpu.memory_space<vmem>>, vector<16xf32>,
      %add3A_61 = arith.addf %add3A_54, %get3A_60 : vector<16xf32>
      %mul3A_62 = arith.constant 16 : i32
      %mul3A_63 = arith.muli %scan3A_32, %mul3A_62 : i32
      %add3A_64 = arith.constant 4160 : i32
      %add3A_65 = arith.addi %add3A_64, %mul3A_63 : i32
      %get3A_66 = arith.index_cast %add3A_65 : i32 to index
      %get3A_67 = tpu.vector_load %arg8[%get3A_66] {strides = array<i32>} : memref<16640xf32, #tpu.memory_space<vmem>>, vector<16xf32>,
      %add3A_68 = arith.addf %add3A_61, %get3A_67 : vector<16xf32>
      %mul3A_69 = arith.constant 16 : i32
      %mul3A_70 = arith.muli %scan3A_32, %mul3A_69 : i32
      %add3A_71 = arith.constant 5200 : i32
      %add3A_72 = arith.addi %add3A_71, %mul3A_70 : i32
      %get3A_73 = arith.index_cast %add3A_72 : i32 to index
      %get3A_74 = tpu.vector_load %arg8[%get3A_73] {strides = array<i32>} : memref<16640xf32, #tpu.memory_space<vmem>>, vector<16xf32>,
      %add3A_75 = arith.addf %add3A_68, %get3A_74 : vector<16xf32>
      %mul3A_76 = arith.constant 16 : i32
      %mul3A_77 = arith.muli %scan3A_32, %mul3A_76 : i32
      %add3A_78 = arith.constant 6240 : i32
      %add3A_79 = arith.addi %add3A_78, %mul3A_77 : i32
      %get3A_80 = arith.index_cast %add3A_79 : i32 to index
      %get3A_81 = tpu.vector_load %arg8[%get3A_80] {strides = array<i32>} : memref<16640xf32, #tpu.memory_space<vmem>>, vector<16xf32>,
      %add3A_82 = arith.addf %add3A_75, %get3A_81 : vector<16xf32>
      %mul3A_83 = arith.constant 16 : i32
      %mul3A_84 = arith.muli %scan3A_32, %mul3A_83 : i32
      %add3A_85 = arith.constant 7280 : i32
      %add3A_86 = arith.addi %add3A_85, %mul3A_84 : i32
      %get3A_87 = arith.index_cast %add3A_86 : i32 to index
      %get3A_88 = tpu.vector_load %arg8[%get3A_87] {strides = array<i32>} : memref<16640xf32, #tpu.memory_space<vmem>>, vector<16xf32>,
      %add3A_89 = arith.addf %add3A_82, %get3A_88 : vector<16xf32>
      %mul3A_90 = arith.constant 16 : i32
      %mul3A_91 = arith.muli %scan3A_32, %mul3A_90 : i32
      %add3A_92 = arith.constant 8320 : i32
      %add3A_93 = arith.addi %add3A_92, %mul3A_91 : i32
      %get3A_94 = arith.index_cast %add3A_93 : i32 to index
      %get3A_95 = tpu.vector_load %arg8[%get3A_94] {strides = array<i32>} : memref<16640xf32, #tpu.memory_space<vmem>>, vector<16xf32>,
      %add3A_96 = arith.addf %add3A_89, %get3A_95 : vector<16xf32>
      %mul3A_97 = arith.constant 16 : i32
      %mul3A_98 = arith.muli %scan3A_32, %mul3A_97 : i32
      %add3A_99 = arith.constant 9360 : i32
      %add3A_100 = arith.addi %add3A_99, %mul3A_98 : i32
      %get3A_101 = arith.index_cast %add3A_100 : i32 to index
      %get3A_102 = tpu.vector_load %arg8[%get3A_101] {strides = array<i32>} : memref<16640xf32, #tpu.memory_space<vmem>>, vector<16xf32>,
      %add3A_103 = arith.addf %add3A_96, %get3A_102 : vector<16xf32>
      %mul3A_104 = arith.constant 16 : i32
      %mul3A_105 = arith.muli %scan3A_32, %mul3A_104 : i32
      %add3A_106 = arith.constant 10400 : i32
      %add3A_107 = arith.addi %add3A_106, %mul3A_105 : i32
      %get3A_108 = arith.index_cast %add3A_107 : i32 to index
      %get3A_109 = tpu.vector_load %arg8[%get3A_108] {strides = array<i32>} : memref<16640xf32, #tpu.memory_space<vmem>>, vector<16xf32>,
      %add3A_110 = arith.addf %add3A_103, %get3A_109 : vector<16xf32>
      %mul3A_111 = arith.constant 16 : i32
      %mul3A_112 = arith.muli %scan3A_32, %mul3A_111 : i32
      %add3A_113 = arith.constant 11440 : i32
      %add3A_114 = arith.addi %add3A_113, %mul3A_112 : i32
      %get3A_115 = arith.index_cast %add3A_114 : i32 to index
      %get3A_116 = tpu.vector_load %arg8[%get3A_115] {strides = array<i32>} : memref<16640xf32, #tpu.memory_space<vmem>>, vector<16xf32>,
      %add3A_117 = arith.addf %add3A_110, %get3A_116 : vector<16xf32>
      %mul3A_118 = arith.constant 16 : i32
      %mul3A_119 = arith.muli %scan3A_32, %mul3A_118 : i32
      %add3A_120 = arith.constant 12480 : i32
      %add3A_121 = arith.addi %add3A_120, %mul3A_119 : i32
      %get3A_122 = arith.index_cast %add3A_121 : i32 to index
      %get3A_123 = tpu.vector_load %arg8[%get3A_122] {strides = array<i32>} : memref<16640xf32, #tpu.memory_space<vmem>>, vector<16xf32>,
      %add3A_124 = arith.addf %add3A_117, %get3A_123 : vector<16xf32>
      %mul3A_125 = arith.constant 16 : i32
      %mul3A_126 = arith.muli %scan3A_32, %mul3A_125 : i32
      %add3A_127 = arith.constant 13520 : i32
      %add3A_128 = arith.addi %add3A_127, %mul3A_126 : i32
      %get3A_129 = arith.index_cast %add3A_128 : i32 to index
      %get3A_130 = tpu.vector_load %arg8[%get3A_129] {strides = array<i32>} : memref<16640xf32, #tpu.memory_space<vmem>>, vector<16xf32>,
      %add3A_131 = arith.addf %add3A_124, %get3A_130 : vector<16xf32>
      %mul3A_132 = arith.constant 16 : i32
      %mul3A_133 = arith.muli %scan3A_32, %mul3A_132 : i32
      %add3A_134 = arith.constant 14560 : i32
      %add3A_135 = arith.addi %add3A_134, %mul3A_133 : i32
      %get3A_136 = arith.index_cast %add3A_135 : i32 to index
      %get3A_137 = tpu.vector_load %arg8[%get3A_136] {strides = array<i32>} : memref<16640xf32, #tpu.memory_space<vmem>>, vector<16xf32>,
      %add3A_138 = arith.addf %add3A_131, %get3A_137 : vector<16xf32>
      %mul3A_139 = arith.constant 16 : i32
      %mul3A_140 = arith.muli %scan3A_32, %mul3A_139 : i32
      %add3A_141 = arith.constant 15600 : i32
      %add3A_142 = arith.addi %add3A_141, %mul3A_140 : i32
      %get3A_143 = arith.index_cast %add3A_142 : i32 to index
      %get3A_144 = tpu.vector_load %arg8[%get3A_143] {strides = array<i32>} : memref<16640xf32, #tpu.memory_space<vmem>>, vector<16xf32>,
      %add3A_145 = arith.addf %add3A_138, %get3A_144 : vector<16xf32>
      %mul3A_146 = arith.constant 16 : i32
      %mul3A_147 = arith.muli %scan3A_32, %mul3A_146 : i32
      %swap3A = arith.index_cast %mul3A_147 : i32 to index
      %swap3A_148 = tpu.vector_load %arg9[%swap3A] {strides = array<i32>} : memref<1040xf32, #tpu.memory_space<vmem>>, vector<16xf32>,
      tpu.vector_store %arg9[%swap3A], %add3A_145 {strides = array<i32>} : memref<1040xf32, #tpu.memory_space<vmem>>, vector<16xf32>,
      %scan3A_149 = arith.constant 0 : i32
      scf.yield %scan3A_149 : i32
    }
    %scan3A_21 = arith.constant 65 : i32
    %barrier3A = arith.constant 0 : index
    tpu.barrier barrier_id(%barrier3A)
    "tpu.region"() ({
      %run_scoped3A = tpu.sem_alloc : memref<!tpu.dma_semaphore, #tpu.memory_space<semaphore_mem>>
      %dma_start3A = arith.constant 0 : i32
      %dma_start3A_32 = tpu.memref_slice %arg13[%arg1, %dma_start3A] : memref<16x1040xf32, #tpu.memory_space<vmem_shared>> -> memref<1x1040xf32, #tpu.memory_space<vmem_shared>>
      %dma_start3A_33 = tpu.memref_squeeze %dma_start3A_32 : memref<1x1040xf32, #tpu.memory_space<vmem_shared>> -> memref<1040xf32, #tpu.memory_space<vmem_shared>>
      %dma_start3A_34 = arith.constant 0 : i32
      %dma_start3A_35 = tpu.memref_slice %arg13[%arg1, %dma_start3A_34] : memref<16x1040xf32, #tpu.memory_space<vmem_shared>> -> memref<1x1040xf32, #tpu.memory_space<vmem_shared>>
      %dma_start3A_36 = tpu.memref_squeeze %dma_start3A_35 : memref<1x1040xf32, #tpu.memory_space<vmem_shared>> -> memref<1040xf32, #tpu.memory_space<vmem_shared>>
      tpu.enqueue_dma source(%arg9 : memref<1040xf32, #tpu.memory_space<vmem>>) target(%dma_start3A_36 : memref<1040xf32, #tpu.memory_space<vmem_shared>>) target_semaphore(%run_scoped3A : memref<!tpu.dma_semaphore, #tpu.memory_space<semaphore_mem>>)
      %dma_wait3A = arith.constant 0 : i32
      %dma_wait3A_37 = tpu.memref_slice %arg13[%arg1, %dma_wait3A] : memref<16x1040xf32, #tpu.memory_space<vmem_shared>> -> memref<1x1040xf32, #tpu.memory_space<vmem_shared>>
      %dma_wait3A_38 = tpu.memref_squeeze %dma_wait3A_37 : memref<1x1040xf32, #tpu.memory_space<vmem_shared>> -> memref<1040xf32, #tpu.memory_space<vmem_shared>>
      %dma_wait3A_39 = arith.constant 0 : i32
      %dma_wait3A_40 = tpu.memref_slice %arg13[%arg1, %dma_wait3A_39] : memref<16x1040xf32, #tpu.memory_space<vmem_shared>> -> memref<1x1040xf32, #tpu.memory_space<vmem_shared>>
      %dma_wait3A_41 = tpu.memref_squeeze %dma_wait3A_40 : memref<1x1040xf32, #tpu.memory_space<vmem_shared>> -> memref<1040xf32, #tpu.memory_space<vmem_shared>>
      tpu.wait_dma2 semaphore(%run_scoped3A : memref<!tpu.dma_semaphore, #tpu.memory_space<semaphore_mem>>) src(%arg9 : memref<1040xf32, #tpu.memory_space<vmem>>) dst(%dma_wait3A_41 : memref<1040xf32, #tpu.memory_space<vmem_shared>>)
      tpu.yield
    }) : () -> ()
    %barrier3A_22 = arith.constant 0 : index
    tpu.barrier barrier_id(%barrier3A_22)
    "tpu.region"() ({
      %run_scoped3A = tpu.sem_alloc : memref<!tpu.dma_semaphore, #tpu.memory_space<semaphore_mem>>
      tpu.enqueue_dma source(%arg13 : memref<16x1040xf32, #tpu.memory_space<vmem_shared>>) target(%arg10 : memref<16x1040xf32, #tpu.memory_space<vmem>>) target_semaphore(%run_scoped3A : memref<!tpu.dma_semaphore, #tpu.memory_space<semaphore_mem>>)
      tpu.wait_dma2 semaphore(%run_scoped3A : memref<!tpu.dma_semaphore, #tpu.memory_space<semaphore_mem>>) src(%arg13 : memref<16x1040xf32, #tpu.memory_space<vmem_shared>>) dst(%arg10 : memref<16x1040xf32, #tpu.memory_space<vmem>>)
      tpu.yield
    }) : () -> ()
    %scan3A_23 = arith.constant 0 : i32
    %scan3A_24 = arith.constant 0 : i32
    %scan3A_25 = arith.constant 65 : i32
    %scan3A_26 = arith.addi %scan3A_24, %scan3A_25 : i32
    %scan3A_27 = arith.constant 1 : i32
    %scan3A_28 = scf.for %scan3A_32 = %scan3A_24 to %scan3A_26 step %scan3A_27 iter_args(%scan3A_33 = %scan3A_23) -> (i32)  : i32 {
      %broadcast_in_dim3A = arith.constant 0.000000e+00 : f32
      %broadcast_in_dim3A_34 = vector.broadcast %broadcast_in_dim3A : f32 to vector<16xf32>
      %mul3A_35 = arith.constant 16 : i32
      %mul3A_36 = arith.muli %scan3A_32, %mul3A_35 : i32
      %get3A_37 = arith.constant 0 : i32
      %get3A_38 = arith.index_cast %get3A_37 : i32 to index
      %get3A_39 = arith.index_cast %mul3A_36 : i32 to index
      %get3A_40 = tpu.vector_load %arg10[%get3A_38, %get3A_39] {strides = array<i32>} : memref<16x1040xf32, #tpu.memory_space<vmem>>, vector<16xf32>,
      %add3A = arith.addf %broadcast_in_dim3A_34, %get3A_40 : vector<16xf32>
      %mul3A_41 = arith.constant 16 : i32
      %mul3A_42 = arith.muli %scan3A_32, %mul3A_41 : i32
      %get3A_43 = arith.constant 1 : i32
      %get3A_44 = arith.index_cast %get3A_43 : i32 to index
      %get3A_45 = arith.index_cast %mul3A_42 : i32 to index
      %get3A_46 = tpu.vector_load %arg10[%get3A_44, %get3A_45] {strides = array<i32>} : memref<16x1040xf32, #tpu.memory_space<vmem>>, vector<16xf32>,
      %add3A_47 = arith.addf %add3A, %get3A_46 : vector<16xf32>
      %mul3A_48 = arith.constant 16 : i32
      %mul3A_49 = arith.muli %scan3A_32, %mul3A_48 : i32
      %get3A_50 = arith.constant 2 : i32
      %get3A_51 = arith.index_cast %get3A_50 : i32 to index
      %get3A_52 = arith.index_cast %mul3A_49 : i32 to index
      %get3A_53 = tpu.vector_load %arg10[%get3A_51, %get3A_52] {strides = array<i32>} : memref<16x1040xf32, #tpu.memory_space<vmem>>, vector<16xf32>,
      %add3A_54 = arith.addf %add3A_47, %get3A_53 : vector<16xf32>
      %mul3A_55 = arith.constant 16 : i32
      %mul3A_56 = arith.muli %scan3A_32, %mul3A_55 : i32
      %get3A_57 = arith.constant 3 : i32
      %get3A_58 = arith.index_cast %get3A_57 : i32 to index
      %get3A_59 = arith.index_cast %mul3A_56 : i32 to index
      %get3A_60 = tpu.vector_load %arg10[%get3A_58, %get3A_59] {strides = array<i32>} : memref<16x1040xf32, #tpu.memory_space<vmem>>, vector<16xf32>,
      %add3A_61 = arith.addf %add3A_54, %get3A_60 : vector<16xf32>
      %mul3A_62 = arith.constant 16 : i32
      %mul3A_63 = arith.muli %scan3A_32, %mul3A_62 : i32
      %get3A_64 = arith.constant 4 : i32
      %get3A_65 = arith.index_cast %get3A_64 : i32 to index
      %get3A_66 = arith.index_cast %mul3A_63 : i32 to index
      %get3A_67 = tpu.vector_load %arg10[%get3A_65, %get3A_66] {strides = array<i32>} : memref<16x1040xf32, #tpu.memory_space<vmem>>, vector<16xf32>,
      %add3A_68 = arith.addf %add3A_61, %get3A_67 : vector<16xf32>
      %mul3A_69 = arith.constant 16 : i32
      %mul3A_70 = arith.muli %scan3A_32, %mul3A_69 : i32
      %get3A_71 = arith.constant 5 : i32
      %get3A_72 = arith.index_cast %get3A_71 : i32 to index
      %get3A_73 = arith.index_cast %mul3A_70 : i32 to index
      %get3A_74 = tpu.vector_load %arg10[%get3A_72, %get3A_73] {strides = array<i32>} : memref<16x1040xf32, #tpu.memory_space<vmem>>, vector<16xf32>,
      %add3A_75 = arith.addf %add3A_68, %get3A_74 : vector<16xf32>
      %mul3A_76 = arith.constant 16 : i32
      %mul3A_77 = arith.muli %scan3A_32, %mul3A_76 : i32
      %get3A_78 = arith.constant 6 : i32
      %get3A_79 = arith.index_cast %get3A_78 : i32 to index
      %get3A_80 = arith.index_cast %mul3A_77 : i32 to index
      %get3A_81 = tpu.vector_load %arg10[%get3A_79, %get3A_80] {strides = array<i32>} : memref<16x1040xf32, #tpu.memory_space<vmem>>, vector<16xf32>,
      %add3A_82 = arith.addf %add3A_75, %get3A_81 : vector<16xf32>
      %mul3A_83 = arith.constant 16 : i32
      %mul3A_84 = arith.muli %scan3A_32, %mul3A_83 : i32
      %get3A_85 = arith.constant 7 : i32
      %get3A_86 = arith.index_cast %get3A_85 : i32 to index
      %get3A_87 = arith.index_cast %mul3A_84 : i32 to index
      %get3A_88 = tpu.vector_load %arg10[%get3A_86, %get3A_87] {strides = array<i32>} : memref<16x1040xf32, #tpu.memory_space<vmem>>, vector<16xf32>,
      %add3A_89 = arith.addf %add3A_82, %get3A_88 : vector<16xf32>
      %mul3A_90 = arith.constant 16 : i32
      %mul3A_91 = arith.muli %scan3A_32, %mul3A_90 : i32
      %get3A_92 = arith.constant 8 : i32
      %get3A_93 = arith.index_cast %get3A_92 : i32 to index
      %get3A_94 = arith.index_cast %mul3A_91 : i32 to index
      %get3A_95 = tpu.vector_load %arg10[%get3A_93, %get3A_94] {strides = array<i32>} : memref<16x1040xf32, #tpu.memory_space<vmem>>, vector<16xf32>,
      %add3A_96 = arith.addf %add3A_89, %get3A_95 : vector<16xf32>
      %mul3A_97 = arith.constant 16 : i32
      %mul3A_98 = arith.muli %scan3A_32, %mul3A_97 : i32
      %get3A_99 = arith.constant 9 : i32
      %get3A_100 = arith.index_cast %get3A_99 : i32 to index
      %get3A_101 = arith.index_cast %mul3A_98 : i32 to index
      %get3A_102 = tpu.vector_load %arg10[%get3A_100, %get3A_101] {strides = array<i32>} : memref<16x1040xf32, #tpu.memory_space<vmem>>, vector<16xf32>,
      %add3A_103 = arith.addf %add3A_96, %get3A_102 : vector<16xf32>
      %mul3A_104 = arith.constant 16 : i32
      %mul3A_105 = arith.muli %scan3A_32, %mul3A_104 : i32
      %get3A_106 = arith.constant 10 : i32
      %get3A_107 = arith.index_cast %get3A_106 : i32 to index
      %get3A_108 = arith.index_cast %mul3A_105 : i32 to index
      %get3A_109 = tpu.vector_load %arg10[%get3A_107, %get3A_108] {strides = array<i32>} : memref<16x1040xf32, #tpu.memory_space<vmem>>, vector<16xf32>,
      %add3A_110 = arith.addf %add3A_103, %get3A_109 : vector<16xf32>
      %mul3A_111 = arith.constant 16 : i32
      %mul3A_112 = arith.muli %scan3A_32, %mul3A_111 : i32
      %get3A_113 = arith.constant 11 : i32
      %get3A_114 = arith.index_cast %get3A_113 : i32 to index
      %get3A_115 = arith.index_cast %mul3A_112 : i32 to index
      %get3A_116 = tpu.vector_load %arg10[%get3A_114, %get3A_115] {strides = array<i32>} : memref<16x1040xf32, #tpu.memory_space<vmem>>, vector<16xf32>,
      %add3A_117 = arith.addf %add3A_110, %get3A_116 : vector<16xf32>
      %mul3A_118 = arith.constant 16 : i32
      %mul3A_119 = arith.muli %scan3A_32, %mul3A_118 : i32
      %get3A_120 = arith.constant 12 : i32
      %get3A_121 = arith.index_cast %get3A_120 : i32 to index
      %get3A_122 = arith.index_cast %mul3A_119 : i32 to index
      %get3A_123 = tpu.vector_load %arg10[%get3A_121, %get3A_122] {strides = array<i32>} : memref<16x1040xf32, #tpu.memory_space<vmem>>, vector<16xf32>,
      %add3A_124 = arith.addf %add3A_117, %get3A_123 : vector<16xf32>
      %mul3A_125 = arith.constant 16 : i32
      %mul3A_126 = arith.muli %scan3A_32, %mul3A_125 : i32
      %get3A_127 = arith.constant 13 : i32
      %get3A_128 = arith.index_cast %get3A_127 : i32 to index
      %get3A_129 = arith.index_cast %mul3A_126 : i32 to index
      %get3A_130 = tpu.vector_load %arg10[%get3A_128, %get3A_129] {strides = array<i32>} : memref<16x1040xf32, #tpu.memory_space<vmem>>, vector<16xf32>,
      %add3A_131 = arith.addf %add3A_124, %get3A_130 : vector<16xf32>
      %mul3A_132 = arith.constant 16 : i32
      %mul3A_133 = arith.muli %scan3A_32, %mul3A_132 : i32
      %get3A_134 = arith.constant 14 : i32
      %get3A_135 = arith.index_cast %get3A_134 : i32 to index
      %get3A_136 = arith.index_cast %mul3A_133 : i32 to index
      %get3A_137 = tpu.vector_load %arg10[%get3A_135, %get3A_136] {strides = array<i32>} : memref<16x1040xf32, #tpu.memory_space<vmem>>, vector<16xf32>,
      %add3A_138 = arith.addf %add3A_131, %get3A_137 : vector<16xf32>
      %mul3A_139 = arith.constant 16 : i32
      %mul3A_140 = arith.muli %scan3A_32, %mul3A_139 : i32
      %get3A_141 = arith.constant 15 : i32
      %get3A_142 = arith.index_cast %get3A_141 : i32 to index
      %get3A_143 = arith.index_cast %mul3A_140 : i32 to index
      %get3A_144 = tpu.vector_load %arg10[%get3A_142, %get3A_143] {strides = array<i32>} : memref<16x1040xf32, #tpu.memory_space<vmem>>, vector<16xf32>,
      %add3A_145 = arith.addf %add3A_138, %get3A_144 : vector<16xf32>
      %mul3A_146 = arith.constant 16 : i32
      %mul3A_147 = arith.muli %scan3A_32, %mul3A_146 : i32
      %swap3A = arith.index_cast %mul3A_147 : i32 to index
      %swap3A_148 = tpu.vector_load %arg11[%swap3A] {strides = array<i32>} : memref<1040xf32, #tpu.memory_space<vmem>>, vector<16xf32>,
      tpu.vector_store %arg11[%swap3A], %add3A_145 {strides = array<i32>} : memref<1040xf32, #tpu.memory_space<vmem>>, vector<16xf32>,
      %scan3A_149 = arith.constant 0 : i32
      scf.yield %scan3A_149 : i32
    }
    %scan3A_29 = arith.constant 65 : i32
    %eq3A = arith.constant 0 : i32
    %eq3A_30 = arith.cmpi eq, %arg1, %eq3A : i32
    %convert_element_type3A = arith.extui %eq3A_30 : i1 to i32
    %cond3A = arith.constant 0 : i32
    %cond3A_31 = arith.cmpi ne, %convert_element_type3A, %cond3A : i32
    scf.if %cond3A_31 {
      "tpu.region"() ({
        %run_scoped3A = tpu.sem_alloc : memref<!tpu.dma_semaphore, #tpu.memory_space<semaphore_mem>>
        %dma_start3A = arith.constant 0 : i32
        %dma_start3A_32 = tpu.memref_slice %arg11[%dma_start3A] : memref<1040xf32, #tpu.memory_space<vmem>> -> memref<1024xf32, #tpu.memory_space<vmem>>
        %dma_start3A_33 = arith.constant 0 : i32
        %dma_start3A_34 = tpu.memref_slice %arg11[%dma_start3A_33] : memref<1040xf32, #tpu.memory_space<vmem>> -> memref<1024xf32, #tpu.memory_space<vmem>>
        tpu.enqueue_dma source(%dma_start3A_34 : memref<1024xf32, #tpu.memory_space<vmem>>) target(%arg5 : memref<1024xf32, #tpu.memory_space<hbm>>) target_semaphore(%run_scoped3A : memref<!tpu.dma_semaphore, #tpu.memory_space<semaphore_mem>>)
        %dma_wait3A = arith.constant 0 : i32
        %dma_wait3A_35 = tpu.memref_slice %arg11[%dma_wait3A] : memref<1040xf32, #tpu.memory_space<vmem>> -> memref<1024xf32, #tpu.memory_space<vmem>>
        %dma_wait3A_36 = arith.constant 0 : i32
        %dma_wait3A_37 = tpu.memref_slice %arg11[%dma_wait3A_36] : memref<1040xf32, #tpu.memory_space<vmem>> -> memref<1024xf32, #tpu.memory_space<vmem>>
        tpu.wait_dma2 semaphore(%run_scoped3A : memref<!tpu.dma_semaphore, #tpu.memory_space<semaphore_mem>>) src(%dma_wait3A_37 : memref<1024xf32, #tpu.memory_space<vmem>>) dst(%arg5 : memref<1024xf32, #tpu.memory_space<hbm>>)
        tpu.yield
      }) : () -> ()
    } else {
    }
    return
  }
}

module attributes {stable_mosaic.version = 14 : i64} {
  func.func @_kern_a(%arg0: i32, %arg1: memref<8192x128xf32, #tpu.memory_space<vmem>>, %arg2: memref<128x128xf32, #tpu.memory_space<vmem>>, %arg3: memref<128x1xf32, #tpu.memory_space<vmem>>, %arg4: memref<128x128xf32, #tpu.memory_space<vmem>>, %arg5: memref<1x128xf32, #tpu.memory_space<vmem>>, %arg6: memref<1x1x8192xf32, #tpu.memory_space<vmem>>, %arg7: memref<1x128xf32, #tpu.memory_space<vmem>>, %arg8: memref<8192x128xbf16, #tpu.memory_space<vmem>>, %arg9: memref<1x128xf32, #tpu.memory_space<vmem>>) attributes {dimension_semantics = [#tpu.dimension_semantics<arbitrary>], iteration_bounds = array<i64: 13>, scalar_prefetch = 0 : i64, scratch_operands = 1 : i64, tpu.core_type = #tpu.core_type<tc>, window_params = [{transform_indices = @transform_0, window_bounds = array<i64: 8192, 128>}, {pipeline_mode = #tpu.pipeline_mode<synchronous>, transform_indices = @transform_1, window_bounds = array<i64: 128, 128>}, {pipeline_mode = #tpu.pipeline_mode<synchronous>, transform_indices = @transform_2, window_bounds = array<i64: 128, 1>}, {pipeline_mode = #tpu.pipeline_mode<synchronous>, transform_indices = @transform_3, window_bounds = array<i64: 128, 128>}, {pipeline_mode = #tpu.pipeline_mode<synchronous>, transform_indices = @transform_4, window_bounds = array<i64: 1, 128>}, {transform_indices = @transform_5, window_bounds = array<i64: 1, 1, 8192>}, {pipeline_mode = #tpu.pipeline_mode<synchronous>, transform_indices = @transform_6, window_bounds = array<i64: 1, 128>}, {transform_indices = @transform_7, window_bounds = array<i64: 8192, 128>}]} {
    %eq3A = arith.constant 0 : i32
    %eq3A_0 = arith.cmpi eq, %arg0, %eq3A : i32
    %convert_element_type3A = arith.extui %eq3A_0 : i1 to i32
    %cond3A = arith.constant 0 : i32
    %cond3A_1 = arith.cmpi ne, %convert_element_type3A, %cond3A : i32
    scf.if %cond3A_1 {
      %broadcast_in_dim3A = arith.constant -1.000000e+30 : f32
      %broadcast_in_dim3A_53 = vector.broadcast %broadcast_in_dim3A : f32 to vector<1x128xf32>
      %swap3A_54 = arith.constant 0 : index
      %swap3A_55 = arith.constant 0 : index
      %swap3A_56 = vector.load %arg9[%swap3A_54, %swap3A_55] : memref<1x128xf32, #tpu.memory_space<vmem>>, vector<1x128xf32>
      tpu.vector_store %arg9[%swap3A_54, %swap3A_55], %broadcast_in_dim3A_53 {strides = array<i32>} : memref<1x128xf32, #tpu.memory_space<vmem>>, vector<1x128xf32>,
    } else {
    }
    %get3A = arith.constant 0 : index
    %get3A_2 = arith.constant 0 : index
    %get3A_3 = vector.load %arg1[%get3A, %get3A_2] : memref<8192x128xf32, #tpu.memory_space<vmem>>, vector<8192x128xf32>
    %get3A_4 = arith.constant 0 : index
    %get3A_5 = arith.constant 0 : index
    %get3A_6 = vector.load %arg2[%get3A_4, %get3A_5] : memref<128x128xf32, #tpu.memory_space<vmem>>, vector<128x128xf32>
    %dot_general3A = arith.constant dense<0.000000e+00> : vector<8192x128xf32>
    %dot_general3A_7 = tpu.matmul %get3A_3, %get3A_6, %dot_general3A {dimension_numbers = #tpu.dot_dimension_numbers<[1], [0], [0], [1], [0, 0, 1, 1], [], []>, transpose_lhs_hint = false} : vector<8192x128xf32>, vector<128x128xf32>, vector<8192x128xf32> -> vector<8192x128xf32>
    %max3A = arith.constant 0.000000e+00 : f32
    %max3A_8 = vector.broadcast %max3A : f32 to vector<8192x128xf32>
    %max3A_9 = arith.maximumf %dot_general3A_7, %max3A_8 : vector<8192x128xf32>
    %get3A_10 = arith.constant 0 : index
    %get3A_11 = arith.constant 0 : index
    %get3A_12 = vector.load %arg3[%get3A_10, %get3A_11] : memref<128x1xf32, #tpu.memory_space<vmem>>, vector<128x1xf32>
    %dot_general3A_13 = arith.constant dense<0.000000e+00> : vector<1x8192xf32>
    %dot_general3A_14 = tpu.matmul %get3A_12, %max3A_9, %dot_general3A_13 {dimension_numbers = #tpu.dot_dimension_numbers<[0], [1], [1], [0], [0, 1, 1, 0], [], []>, transpose_lhs_hint = false} : vector<128x1xf32>, vector<8192x128xf32>, vector<1x8192xf32> -> vector<1x8192xf32>
    %swap3A = arith.constant 0 : index
    %swap3A_15 = arith.constant 0 : index
    %swap3A_16 = arith.constant 0 : index
    %swap3A_17 = vector.load %arg6[%swap3A, %swap3A_15, %swap3A_16] : memref<1x1x8192xf32, #tpu.memory_space<vmem>>, vector<1x1x8192xf32>
    %swap3A_18 = vector.shape_cast %swap3A_17 : vector<1x1x8192xf32> to vector<1x8192xf32>
    %swap3A_19 = vector.shape_cast %dot_general3A_14 : vector<1x8192xf32> to vector<1x1x8192xf32>
    tpu.vector_store %arg6[%swap3A, %swap3A_15, %swap3A_16], %swap3A_19 {strides = array<i32>} : memref<1x1x8192xf32, #tpu.memory_space<vmem>>, vector<1x1x8192xf32>,
    %get3A_20 = arith.constant 0 : index
    %get3A_21 = arith.constant 0 : index
    %get3A_22 = vector.load %arg9[%get3A_20, %get3A_21] : memref<1x128xf32, #tpu.memory_space<vmem>>, vector<1x128xf32>
    %reduce_max3A = vector.shape_cast %dot_general3A_14 : vector<1x8192xf32> to vector<1x1x8192xf32>
    %reduce_max3A_23 = arith.constant dense<0xFF800000> : vector<1xf32>
    %reduce_max3A_24 = vector.multi_reduction <maximumf>, %reduce_max3A, %reduce_max3A_23 [1, 2] : vector<1x1x8192xf32> to vector<1xf32>
    %reduce_max3A_25 = vector.shape_cast %reduce_max3A_24 : vector<1xf32> to vector<1x1x1xf32>
    %reduce_max3A_26 = vector.extract %reduce_max3A_25[0, 0, 0] : f32 from vector<1x1x1xf32>
    %max3A_27 = vector.broadcast %reduce_max3A_26 : f32 to vector<1x128xf32>
    %max3A_28 = arith.maximumf %get3A_22, %max3A_27 : vector<1x128xf32>
    %swap3A_29 = arith.constant 0 : index
    %swap3A_30 = arith.constant 0 : index
    %swap3A_31 = vector.load %arg9[%swap3A_29, %swap3A_30] : memref<1x128xf32, #tpu.memory_space<vmem>>, vector<1x128xf32>
    tpu.vector_store %arg9[%swap3A_29, %swap3A_30], %max3A_28 {strides = array<i32>} : memref<1x128xf32, #tpu.memory_space<vmem>>, vector<1x128xf32>,
    %get3A_32 = arith.constant 0 : index
    %get3A_33 = arith.constant 0 : index
    %get3A_34 = vector.load %arg4[%get3A_32, %get3A_33] : memref<128x128xf32, #tpu.memory_space<vmem>>, vector<128x128xf32>
    %dot_general3A_35 = arith.constant dense<0.000000e+00> : vector<8192x128xf32>
    %dot_general3A_36 = tpu.matmul %get3A_3, %get3A_34, %dot_general3A_35 {dimension_numbers = #tpu.dot_dimension_numbers<[1], [0], [0], [1], [0, 0, 1, 1], [], []>, transpose_lhs_hint = false} : vector<8192x128xf32>, vector<128x128xf32>, vector<8192x128xf32> -> vector<8192x128xf32>
    %get3A_37 = arith.constant 0 : index
    %get3A_38 = arith.constant 0 : index
    %get3A_39 = vector.load %arg5[%get3A_37, %get3A_38] : memref<1x128xf32, #tpu.memory_space<vmem>>, vector<1x128xf32>
    %add3A = vector.broadcast %get3A_39 : vector<1x128xf32> to vector<8192x128xf32>
    %add3A_40 = arith.addf %dot_general3A_36, %add3A : vector<8192x128xf32>
    %max3A_41 = arith.constant 0.000000e+00 : f32
    %max3A_42 = vector.broadcast %max3A_41 : f32 to vector<8192x128xf32>
    %max3A_43 = arith.maximumf %add3A_40, %max3A_42 : vector<8192x128xf32>
    %convert_element_type3A_44 = arith.truncf %max3A_43 : vector<8192x128xf32> to vector<8192x128xbf16>
    %swap3A_45 = arith.constant 0 : index
    %swap3A_46 = arith.constant 0 : index
    %swap3A_47 = vector.load %arg8[%swap3A_45, %swap3A_46] : memref<8192x128xbf16, #tpu.memory_space<vmem>>, vector<8192x128xbf16>
    tpu.vector_store %arg8[%swap3A_45, %swap3A_46], %convert_element_type3A_44 {strides = array<i32>} : memref<8192x128xbf16, #tpu.memory_space<vmem>>, vector<8192x128xbf16>,
    %eq3A_48 = arith.constant 12 : i32
    %eq3A_49 = arith.cmpi eq, %arg0, %eq3A_48 : i32
    %convert_element_type3A_50 = arith.extui %eq3A_49 : i1 to i32
    %cond3A_51 = arith.constant 0 : i32
    %cond3A_52 = arith.cmpi ne, %convert_element_type3A_50, %cond3A_51 : i32
    scf.if %cond3A_52 {
      %get3A_53 = arith.constant 0 : index
      %get3A_54 = arith.constant 0 : index
      %get3A_55 = vector.load %arg9[%get3A_53, %get3A_54] : memref<1x128xf32, #tpu.memory_space<vmem>>, vector<1x128xf32>
      %swap3A_56 = arith.constant 0 : index
      %swap3A_57 = arith.constant 0 : index
      %swap3A_58 = vector.load %arg7[%swap3A_56, %swap3A_57] : memref<1x128xf32, #tpu.memory_space<vmem>>, vector<1x128xf32>
      tpu.vector_store %arg7[%swap3A_56, %swap3A_57], %get3A_55 {strides = array<i32>} : memref<1x128xf32, #tpu.memory_space<vmem>>, vector<1x128xf32>,
    } else {
    }
    return
  }
  func.func @transform_0(%arg0: i32) -> (i32, i32) {
    %c0_i32 = arith.constant 0 : i32
    %c0_i32_0 = arith.constant 0 : i32
    return %arg0, %c0_i32 : i32, i32
  }
  func.func @transform_1(%arg0: i32) -> (i32, i32) {
    %c0_i32 = arith.constant 0 : i32
    %c0_i32_0 = arith.constant 0 : i32
    %c0_i32_1 = arith.constant 0 : i32
    return %c0_i32, %c0_i32_0 : i32, i32
  }
  func.func @transform_2(%arg0: i32) -> (i32, i32) {
    %c0_i32 = arith.constant 0 : i32
    %c0_i32_0 = arith.constant 0 : i32
    %c0_i32_1 = arith.constant 0 : i32
    return %c0_i32, %c0_i32_0 : i32, i32
  }
  func.func @transform_3(%arg0: i32) -> (i32, i32) {
    %c0_i32 = arith.constant 0 : i32
    %c0_i32_0 = arith.constant 0 : i32
    %c0_i32_1 = arith.constant 0 : i32
    return %c0_i32, %c0_i32_0 : i32, i32
  }
  func.func @transform_4(%arg0: i32) -> (i32, i32) {
    %c0_i32 = arith.constant 0 : i32
    %c0_i32_0 = arith.constant 0 : i32
    %c0_i32_1 = arith.constant 0 : i32
    return %c0_i32, %c0_i32_0 : i32, i32
  }
  func.func @transform_5(%arg0: i32) -> (i32, i32, i32) {
    %c0_i32 = arith.constant 0 : i32
    %c0_i32_0 = arith.constant 0 : i32
    %c0_i32_1 = arith.constant 0 : i32
    return %arg0, %c0_i32, %c0_i32_0 : i32, i32, i32
  }
  func.func @transform_6(%arg0: i32) -> (i32, i32) {
    %c0_i32 = arith.constant 0 : i32
    %c0_i32_0 = arith.constant 0 : i32
    %c0_i32_1 = arith.constant 0 : i32
    return %c0_i32, %c0_i32_0 : i32, i32
  }
  func.func @transform_7(%arg0: i32) -> (i32, i32) {
    %c0_i32 = arith.constant 0 : i32
    %c0_i32_0 = arith.constant 0 : i32
    return %arg0, %c0_i32 : i32, i32
  }
}

module attributes {stable_mosaic.version = 14 : i64} {
  func.func @_kern_b(%arg0: i32, %arg1: memref<13xi32, #tpu.memory_space<smem>>, %arg2: memref<13xi32, #tpu.memory_space<smem>>, %arg3: memref<1xf32, #tpu.memory_space<smem>>, %arg4: memref<8192x128xbf16, #tpu.memory_space<vmem>>, %arg5: memref<1x1x8192xi32, #tpu.memory_space<vmem>>, %arg6: memref<1x1x8192xf32, #tpu.memory_space<vmem>>, %arg7: memref<1024x1xf32, #tpu.memory_space<vmem>>, %arg8: memref<128x128xf32, #tpu.memory_space<vmem>>, %arg9: memref<1x128xf32, #tpu.memory_space<vmem>>, %arg10: memref<1024x128xf32, #tpu.memory_space<vmem>>, %arg11: memref<1024x128xf32, #tpu.memory_space<vmem>>) attributes {dimension_semantics = [#tpu.dimension_semantics<arbitrary>], iteration_bounds = array<i64: 13>, scalar_prefetch = 0 : i64, scratch_operands = 1 : i64, tpu.core_type = #tpu.core_type<tc>, window_params = [{transform_indices = @transform_0, window_bounds = array<i64: 13>}, {transform_indices = @transform_1, window_bounds = array<i64: 13>}, {transform_indices = @transform_2, window_bounds = array<i64: 1>}, {transform_indices = @transform_3, window_bounds = array<i64: 8192, 128>}, {transform_indices = @transform_4, window_bounds = array<i64: 1, 1, 8192>}, {transform_indices = @transform_5, window_bounds = array<i64: 1, 1, 8192>}, {pipeline_mode = #tpu.pipeline_mode<synchronous>, transform_indices = @transform_6, window_bounds = array<i64: 1024, 1>}, {pipeline_mode = #tpu.pipeline_mode<synchronous>, transform_indices = @transform_7, window_bounds = array<i64: 128, 128>}, {pipeline_mode = #tpu.pipeline_mode<synchronous>, transform_indices = @transform_8, window_bounds = array<i64: 1, 128>}, {pipeline_mode = #tpu.pipeline_mode<synchronous>, transform_indices = @transform_9, window_bounds = array<i64: 1024, 128>}]} {
    %eq3A = arith.constant 0 : i32
    %eq3A_0 = arith.cmpi eq, %arg0, %eq3A : i32
    %convert_element_type3A = arith.extui %eq3A_0 : i1 to i32
    %cond3A = arith.constant 0 : i32
    %cond3A_1 = arith.cmpi ne, %convert_element_type3A, %cond3A : i32
    scf.if %cond3A_1 {
      %broadcast_in_dim3A = arith.constant 0.000000e+00 : f32
      %broadcast_in_dim3A_32 = vector.broadcast %broadcast_in_dim3A : f32 to vector<1024x128xf32>
      %swap3A = arith.constant 0 : index
      %swap3A_33 = arith.constant 0 : index
      %swap3A_34 = vector.load %arg11[%swap3A, %swap3A_33] : memref<1024x128xf32, #tpu.memory_space<vmem>>, vector<1024x128xf32>
      tpu.vector_store %arg11[%swap3A, %swap3A_33], %broadcast_in_dim3A_32 {strides = array<i32>} : memref<1024x128xf32, #tpu.memory_space<vmem>>, vector<1024x128xf32>,
    } else {
    }
    %get3A = arith.constant 0 : index
    %get3A_2 = arith.constant 0 : index
    %get3A_3 = vector.load %arg4[%get3A, %get3A_2] : memref<8192x128xbf16, #tpu.memory_space<vmem>>, vector<8192x128xbf16>
    %get3A_4 = arith.constant 0 : index
    %get3A_5 = arith.constant 0 : index
    %get3A_6 = arith.constant 0 : index
    %get3A_7 = vector.load %arg6[%get3A_4, %get3A_5, %get3A_6] : memref<1x1x8192xf32, #tpu.memory_space<vmem>>, vector<1x1x8192xf32>
    %get3A_8 = vector.shape_cast %get3A_7 : vector<1x1x8192xf32> to vector<1x8192xf32>
    %get3A_9 = arith.constant 0 : index
    %get3A_10 = memref.load %arg3[%get3A_9] : memref<1xf32, #tpu.memory_space<smem>>
    %sub3A = vector.broadcast %get3A_10 : f32 to vector<1x8192xf32>
    %sub3A_11 = arith.subf %get3A_8, %sub3A : vector<1x8192xf32>
    %exp3A = math.exp %sub3A_11 : vector<1x8192xf32>
    %get3A_12 = arith.constant 0 : index
    %get3A_13 = arith.constant 0 : index
    %get3A_14 = arith.constant 0 : index
    %get3A_15 = vector.load %arg5[%get3A_12, %get3A_13, %get3A_14] : memref<1x1x8192xi32, #tpu.memory_space<vmem>>, vector<1x1x8192xi32>
    %get3A_16 = vector.shape_cast %get3A_15 : vector<1x1x8192xi32> to vector<1x8192xi32>
    %get3A_17 = arith.index_cast %arg0 : i32 to index
    %get3A_18 = memref.load %arg2[%get3A_17] : memref<13xi32, #tpu.memory_space<smem>>
    %ne3A = arith.constant 0 : i32
    %ne3A_19 = arith.cmpi ne, %get3A_18, %ne3A : i32
    %convert_element_type3A_20 = arith.extui %ne3A_19 : i1 to i32
    %cond3A_21 = arith.constant 0 : i32
    %cond3A_22 = arith.cmpi ne, %convert_element_type3A_20, %cond3A_21 : i32
    scf.if %cond3A_22 {
      %get3A_32 = arith.index_cast %arg0 : i32 to index
      %get3A_33 = memref.load %arg1[%get3A_32] : memref<13xi32, #tpu.memory_space<smem>>
      %iota3A = tpu.iota {dimensions = array<i32: 0>} : vector<128x8192xi32>
      %add3A = vector.broadcast %get3A_33 : i32 to vector<128x8192xi32>
      %add3A_34 = arith.addi %iota3A, %add3A : vector<128x8192xi32>
      %eq3A_35 = vector.broadcast %get3A_16 : vector<1x8192xi32> to vector<128x8192xi32>
      %eq3A_36 = arith.cmpi eq, %add3A_34, %eq3A_35 : vector<128x8192xi32>
      %jit3A = arith.constant 0.000000e+00 : f32
      %broadcast_in_dim3A = vector.shape_cast %exp3A : vector<1x8192xf32> to vector<1x8192xf32>
      %broadcast_in_dim3A_37 = vector.broadcast %broadcast_in_dim3A : vector<1x8192xf32> to vector<128x8192xf32>
      %broadcast_in_dim3A_38 = vector.broadcast %jit3A : f32 to vector<128x8192xf32>
      %select_n3A = arith.select %eq3A_36, %broadcast_in_dim3A_37, %broadcast_in_dim3A_38 : vector<128x8192xi1>, vector<128x8192xf32>
      %get3A_39 = arith.index_cast %get3A_33 : i32 to index
      %get3A_40 = arith.constant 0 : index
      %get3A_41 = vector.load %arg11[%get3A_39, %get3A_40] : memref<1024x128xf32, #tpu.memory_space<vmem>>, vector<128x128xf32>
      %convert_element_type3A_42 = arith.truncf %select_n3A : vector<128x8192xf32> to vector<128x8192xbf16>
      %dot_general3A = arith.constant dense<0.000000e+00> : vector<128x128xf32>
      %dot_general3A_43 = tpu.matmul %convert_element_type3A_42, %get3A_3, %dot_general3A {dimension_numbers = #tpu.dot_dimension_numbers<[1], [0], [0], [1], [0, 0, 1, 1], [], []>, transpose_lhs_hint = false} : vector<128x8192xbf16>, vector<8192x128xbf16>, vector<128x128xf32> -> vector<128x128xf32>
      %add3A_44 = arith.addf %get3A_41, %dot_general3A_43 : vector<128x128xf32>
      %swap3A = arith.index_cast %get3A_33 : i32 to index
      %swap3A_45 = arith.constant 0 : index
      %swap3A_46 = vector.load %arg11[%swap3A, %swap3A_45] : memref<1024x128xf32, #tpu.memory_space<vmem>>, vector<128x128xf32>
      tpu.vector_store %arg11[%swap3A, %swap3A_45], %add3A_44 {strides = array<i32>} : memref<1024x128xf32, #tpu.memory_space<vmem>>, vector<128x128xf32>,
    } else {
    }
    %not3A = arith.constant true
    %not3A_23 = arith.xori %ne3A_19, %not3A : i1
    %convert_element_type3A_24 = arith.extui %not3A_23 : i1 to i32
    %cond3A_25 = arith.constant 0 : i32
    %cond3A_26 = arith.cmpi ne, %convert_element_type3A_24, %cond3A_25 : i32
    scf.if %cond3A_26 {
      %iota3A = tpu.iota {dimensions = array<i32: 0>} : vector<1024x8192xi32>
      %add3A = arith.constant 0 : i32
      %add3A_32 = vector.broadcast %add3A : i32 to vector<1024x8192xi32>
      %add3A_33 = arith.addi %iota3A, %add3A_32 : vector<1024x8192xi32>
      %eq3A_34 = vector.broadcast %get3A_16 : vector<1x8192xi32> to vector<1024x8192xi32>
      %eq3A_35 = arith.cmpi eq, %add3A_33, %eq3A_34 : vector<1024x8192xi32>
      %jit3A = arith.constant 0.000000e+00 : f32
      %broadcast_in_dim3A = vector.shape_cast %exp3A : vector<1x8192xf32> to vector<1x8192xf32>
      %broadcast_in_dim3A_36 = vector.broadcast %broadcast_in_dim3A : vector<1x8192xf32> to vector<1024x8192xf32>
      %broadcast_in_dim3A_37 = vector.broadcast %jit3A : f32 to vector<1024x8192xf32>
      %select_n3A = arith.select %eq3A_35, %broadcast_in_dim3A_36, %broadcast_in_dim3A_37 : vector<1024x8192xi1>, vector<1024x8192xf32>
      %get3A_38 = arith.constant 0 : index
      %get3A_39 = arith.constant 0 : index
      %get3A_40 = vector.load %arg11[%get3A_38, %get3A_39] : memref<1024x128xf32, #tpu.memory_space<vmem>>, vector<1024x128xf32>
      %convert_element_type3A_41 = arith.truncf %select_n3A : vector<1024x8192xf32> to vector<1024x8192xbf16>
      %dot_general3A = arith.constant dense<0.000000e+00> : vector<1024x128xf32>
      %dot_general3A_42 = tpu.matmul %convert_element_type3A_41, %get3A_3, %dot_general3A {dimension_numbers = #tpu.dot_dimension_numbers<[1], [0], [0], [1], [0, 0, 1, 1], [], []>, transpose_lhs_hint = false} : vector<1024x8192xbf16>, vector<8192x128xbf16>, vector<1024x128xf32> -> vector<1024x128xf32>
      %add3A_43 = arith.addf %get3A_40, %dot_general3A_42 : vector<1024x128xf32>
      %swap3A = arith.constant 0 : index
      %swap3A_44 = arith.constant 0 : index
      %swap3A_45 = vector.load %arg11[%swap3A, %swap3A_44] : memref<1024x128xf32, #tpu.memory_space<vmem>>, vector<1024x128xf32>
      tpu.vector_store %arg11[%swap3A, %swap3A_44], %add3A_43 {strides = array<i32>} : memref<1024x128xf32, #tpu.memory_space<vmem>>, vector<1024x128xf32>,
    } else {
    }
    %eq3A_27 = arith.constant 12 : i32
    %eq3A_28 = arith.cmpi eq, %arg0, %eq3A_27 : i32
    %convert_element_type3A_29 = arith.extui %eq3A_28 : i1 to i32
    %cond3A_30 = arith.constant 0 : i32
    %cond3A_31 = arith.cmpi ne, %convert_element_type3A_29, %cond3A_30 : i32
    scf.if %cond3A_31 {
      %get3A_32 = arith.constant 0 : index
      %get3A_33 = arith.constant 0 : index
      %get3A_34 = vector.load %arg7[%get3A_32, %get3A_33] : memref<1024x1xf32, #tpu.memory_space<vmem>>, vector<1024x1xf32>
      %add3A = arith.constant 1.000000e-16 : f32
      %add3A_35 = vector.broadcast %add3A : f32 to vector<1024x1xf32>
      %add3A_36 = arith.addf %get3A_34, %add3A_35 : vector<1024x1xf32>
      %get3A_37 = arith.constant 0 : index
      %get3A_38 = arith.constant 0 : index
      %get3A_39 = vector.load %arg11[%get3A_37, %get3A_38] : memref<1024x128xf32, #tpu.memory_space<vmem>>, vector<1024x128xf32>
      %get3A_40 = arith.constant 0 : index
      %get3A_41 = arith.constant 0 : index
      %get3A_42 = vector.load %arg8[%get3A_40, %get3A_41] : memref<128x128xf32, #tpu.memory_space<vmem>>, vector<128x128xf32>
      %dot_general3A = arith.constant dense<0.000000e+00> : vector<1024x128xf32>
      %dot_general3A_43 = tpu.matmul %get3A_39, %get3A_42, %dot_general3A {dimension_numbers = #tpu.dot_dimension_numbers<[1], [0], [0], [1], [0, 0, 1, 1], [], []>, transpose_lhs_hint = false} : vector<1024x128xf32>, vector<128x128xf32>, vector<1024x128xf32> -> vector<1024x128xf32>
      %div3A = vector.broadcast %add3A_36 : vector<1024x1xf32> to vector<1024x128xf32>
      %div3A_44 = arith.divf %dot_general3A_43, %div3A : vector<1024x128xf32>
      %get3A_45 = arith.constant 0 : index
      %get3A_46 = arith.constant 0 : index
      %get3A_47 = vector.load %arg9[%get3A_45, %get3A_46] : memref<1x128xf32, #tpu.memory_space<vmem>>, vector<1x128xf32>
      %div3A_48 = arith.divf %get3A_34, %add3A_36 : vector<1024x1xf32>
      %mul3A = vector.broadcast %get3A_47 : vector<1x128xf32> to vector<1024x128xf32>
      %mul3A_49 = vector.broadcast %div3A_48 : vector<1024x1xf32> to vector<1024x128xf32>
      %mul3A_50 = arith.mulf %mul3A, %mul3A_49 : vector<1024x128xf32>
      %add3A_51 = arith.addf %div3A_44, %mul3A_50 : vector<1024x128xf32>
      %swap3A = arith.constant 0 : index
      %swap3A_52 = arith.constant 0 : index
      %swap3A_53 = vector.load %arg10[%swap3A, %swap3A_52] : memref<1024x128xf32, #tpu.memory_space<vmem>>, vector<1024x128xf32>
      tpu.vector_store %arg10[%swap3A, %swap3A_52], %add3A_51 {strides = array<i32>} : memref<1024x128xf32, #tpu.memory_space<vmem>>, vector<1024x128xf32>,
    } else {
    }
    return
  }
  func.func @transform_0(%arg0: i32) -> i32 {
    %c0_i32 = arith.constant 0 : i32
    %c0_i32_0 = arith.constant 0 : i32
    return %c0_i32 : i32
  }
  func.func @transform_1(%arg0: i32) -> i32 {
    %c0_i32 = arith.constant 0 : i32
    %c0_i32_0 = arith.constant 0 : i32
    return %c0_i32 : i32
  }
  func.func @transform_2(%arg0: i32) -> i32 {
    %c0_i32 = arith.constant 0 : i32
    %c0_i32_0 = arith.constant 0 : i32
    return %c0_i32 : i32
  }
  func.func @transform_3(%arg0: i32) -> (i32, i32) {
    %c0_i32 = arith.constant 0 : i32
    %c0_i32_0 = arith.constant 0 : i32
    return %arg0, %c0_i32 : i32, i32
  }
  func.func @transform_4(%arg0: i32) -> (i32, i32, i32) {
    %c0_i32 = arith.constant 0 : i32
    %c0_i32_0 = arith.constant 0 : i32
    %c0_i32_1 = arith.constant 0 : i32
    return %arg0, %c0_i32, %c0_i32_0 : i32, i32, i32
  }
  func.func @transform_5(%arg0: i32) -> (i32, i32, i32) {
    %c0_i32 = arith.constant 0 : i32
    %c0_i32_0 = arith.constant 0 : i32
    %c0_i32_1 = arith.constant 0 : i32
    return %arg0, %c0_i32, %c0_i32_0 : i32, i32, i32
  }
  func.func @transform_6(%arg0: i32) -> (i32, i32) {
    %c0_i32 = arith.constant 0 : i32
    %c0_i32_0 = arith.constant 0 : i32
    %c0_i32_1 = arith.constant 0 : i32
    return %c0_i32, %c0_i32_0 : i32, i32
  }
  func.func @transform_7(%arg0: i32) -> (i32, i32) {
    %c0_i32 = arith.constant 0 : i32
    %c0_i32_0 = arith.constant 0 : i32
    %c0_i32_1 = arith.constant 0 : i32
    return %c0_i32, %c0_i32_0 : i32, i32
  }
  func.func @transform_8(%arg0: i32) -> (i32, i32) {
    %c0_i32 = arith.constant 0 : i32
    %c0_i32_0 = arith.constant 0 : i32
    %c0_i32_1 = arith.constant 0 : i32
    return %c0_i32, %c0_i32_0 : i32, i32
  }
  func.func @transform_9(%arg0: i32) -> (i32, i32) {
    %c0_i32 = arith.constant 0 : i32
    %c0_i32_0 = arith.constant 0 : i32
    %c0_i32_1 = arith.constant 0 : i32
    return %c0_i32, %c0_i32_0 : i32, i32
  }
}

</mosaic_0001>

<sc_bundles>
// kernel: _run.5.cloned.1.call-start
scs
__scs_entry_jumppad:
0x0: {  	(pc) =	sbr.rel $0x88, $3  }
0x1: {  	(tag) =	ssettag $0x0;
	lr =	simm.s32 $0x1  }
0x2: {  	[smem:$0x3F99] =	sst lr;
	_ =	strace $0xD0000000  }
0x3: {  	_ = 	snop  }
0x4: {  	_ = 	snop  }
0x5: {  	_ = 	snop  }
0x6: {  	_ = 	snop  }
0x7: {  	_ = 	snop  }
__scs_overlays_trampoline_lowered:
0x8: {  	[smem:$0x3FA8] =	sst s0  }
0x9: {  	[smem:$0x3FA9] =	sst s1  }
0xa: {  	[smem:$0x3FAA] =	sst s2  }
0xb: {  	[smem:$0x3FAB] =	sst s3  }
0xc: {  	[smem:$0x3FAC] =	sst s4  }
0xd: {  	[smem:$0x3FAD] =	sst s5  }
0xe: {  	[smem:$0x3FAE] =	sst s6  }
0xf: {  	[smem:$0x3FAF] =	sst s7  }
0x10: {  	[smem:$0x3FB0] =	sst s8  }
0x11: {  	[smem:$0x3FB1] =	sst s9;
	s0 =	simm.s32 @!p0 $0x0  }
0x12: {  	s1 =	sld [smem:$0x3F97];
	s0 =	simm.s32 @p0 $0x1  }
0x13: {  	[smem:$0x3FB2] =	sst s0;
	s0 =	simm.s32 @!p1 $0x0  }
0x14: {  	s2 =	sld [smem:$0x3F96];
	s0 =	simm.s32 @p1 $0x1  }
0x15: {  	[smem:$0x3FB3] =	sst s0;
	s0 =	simm.s32 @!p2 $0x0  }
0x16: {  	s3 =	sld [smem:$0x3FDB];
	s0 =	simm.s32 @p2 $0x1  }
0x17: {  	s4 =	simm.s32 $0x1BF5;
	[smem:$0x3FB5] =	sst s0  }
0x18: {  	s0 =	sld [smem:$0x3F98];
	_ =	swait.ge [sflag:s4], $0x0  }
0x19: {  	s7 =	sld [smem:$0x3F99]  }
0x1a: {  	s8 =	sadd.s32 $0xFFFFE003, lr  }
0x1b: {  	s9 =	sadd.s32 $0xFFFFFEF7, lr;
	s5 =	simm.s32 $0xFFFFFFFF;
	p2 =	slt.u32 s8, $0xFFFFF086  }
0x1c: {  	p1 =	slt.u32 s9, $0xF7A;
	s5 =	simm.s32 @!p2 $0x0  }
0x1d: {  	s5 =	simm.s32 @p1 $0x1;
	p0 =	seq.s32 s7, s2  }
0x1e: {  	s7 =	smul.u32 @!p0 $0xF7A, s2;
	p2 =	seq.s32 @!p0 s5, $0x0  }
0x1f: {  	s9 =	smul.u32 $0xF7A, s1;
	s8 =	simm.s32 @!p0 $0x1BF5;
	p2 =	por !p2, p0  }
0x20: {  	[sflag:s8] =	ssyncset.s32 @!p0 $0xFFFFF086;
	s6 =	sadd.s32 @!p0 s3, s7;
	s7 =	simm.s32 @!p0 $0x108  }
0x21: {  	s3 =	sadd.s32 s3, s9;
	s6 =	sadd.s32 @!p0 $0x88, s6;
	s7 =	simm.s32 @p2 $0x1082  }
0x22: {  	[simem:s7], [sflag:s8] =	dma.local @!p0 [hbm:s6], $0xF7A  }
0x23: {  	s9 =	sor.u32 $0xD0000000, s2;
	s6 =	simm.s32 $0x108;
	_ =	swait.ge @!p0 [sflag:s8], $0x0  }
0x24: {  	s3 =	sadd.s32 $0x88, s3;
	s6 =	simm.s32 @!p1 $0x1082;
	[sflag:s4] =	ssyncset.s32 $0xFFFFF086  }
0x25: {  	[simem:s6], [sflag:s4] =	dma.local [hbm:s3], $0xF7A  }
0x26: {  	[smem:$0x3F99] =	sst s1;
	(tag) =	ssettag s2;
	_ =	strace s9  }
0x27: {  	s1 =	sld [smem:$0x3FA9]  }
0x28: {  	s2 =	sld [smem:$0x3FAA]  }
0x29: {  	s4 =	sld [smem:$0x3FAC]  }
0x2a: {  	p0 =	seq.s32 s5, $0x0;
	s5 =	sld [smem:$0x3FAD]  }
0x2b: {  	s6 =	sld [smem:$0x3FAE]  }
0x2c: {  	s7 =	sld [smem:$0x3FAF]  }
0x2d: {  	s3 =	simm.s32 $0x108;
	s8 =	sld [smem:$0x3FB0]  }
0x2e: {  	s3 =	simm.s32 @!p0 $0x1082;
	s9 =	sld [smem:$0x3FB1]  }
0x2f: {  	lr =	sadd.s32 s0, s3;
	s0 =	sld [smem:$0x3FA8]  }
0x30: {  	s3 =	sld [smem:$0x3FAB]  }
0x31: {  	[smem:$0x3FB4] =	sst s10  }
0x32: {  	s10 =	sld [smem:$0x3FB2];
	_ =	sdelay $0x3  }
0x33: {  	p0 =	seq.s32 s10, $0x1;
	s10 =	sld [smem:$0x3FB4];
	_ =	sdelay $0x3  }
0x34: {  	[smem:$0x3FB4] =	sst s10  }
0x35: {  	s10 =	sld [smem:$0x3FB3];
	_ =	sdelay $0x3  }
0x36: {  	p1 =	seq.s32 s10, $0x1;
	s10 =	sld [smem:$0x3FB4];
	_ =	sdelay $0x3  }
0x37: {  	[smem:$0x3FB4] =	sst s10  }
0x38: {  	s10 =	sld [smem:$0x3FB5]  }
0x39: {  	_ = 	snop;
	(pc) =	sbr.ind lr, $3  }
0x3a: {  	_ = 	snop  }
0x3b: {  	_ = 	snop  }
0x3c: {  	p2 =	seq.s32 s10, $0x1;
	s10 =	sld [smem:$0x3FB4]  }
0x3d: {  	_ =	shalt  }
0x3e: {  	_ =	shalt  }
0x3f: {  	_ =	shalt  }
0x40: {  	_ =	shalt  }
0x41: {  	_ =	shalt  }
0x42: {  	_ =	shalt  }
0x43: {  	_ =	shalt  }
0x44: {  	_ =	shalt  }
0x45: {  	_ =	shalt  }
0x46: {  	_ =	shalt  }
0x47: {  	_ =	shalt  }
0x48: {  	_ =	shalt  }
0x49: {  	_ =	shalt  }
0x4a: {  	_ =	shalt  }
0x4b: {  	_ =	shalt  }
0x4c: {  	_ =	shalt  }
0x4d: {  	_ =	shalt  }
0x4e: {  	_ =	shalt  }
0x4f: {  	_ =	shalt  }
0x50: {  	_ =	shalt  }
0x51: {  	_ =	shalt  }
0x52: {  	_ =	shalt  }
0x53: {  	_ =	shalt  }
0x54: {  	_ =	shalt  }
0x55: {  	_ =	shalt  }
0x56: {  	_ =	shalt  }
0x57: {  	_ =	shalt  }
0x58: {  	_ =	shalt  }
0x59: {  	_ =	shalt  }
0x5a: {  	_ =	shalt  }
0x5b: {  	_ =	shalt  }
0x5c: {  	_ =	shalt  }
0x5d: {  	_ =	shalt  }
0x5e: {  	_ =	shalt  }
0x5f: {  	_ =	shalt  }
0x60: {  	_ =	shalt  }
0x61: {  	_ =	shalt  }
0x62: {  	_ =	shalt  }
0x63: {  	_ =	shalt  }
0x64: {  	_ =	shalt  }
0x65: {  	_ =	shalt  }
0x66: {  	_ =	shalt  }
0x67: {  	_ =	shalt  }
0x68: {  	_ =	shalt  }
0x69: {  	_ =	shalt  }
0x6a: {  	_ =	shalt  }
0x6b: {  	_ =	shalt  }
0x6c: {  	_ =	shalt  }
0x6d: {  	_ =	shalt  }
0x6e: {  	_ =	shalt  }
0x6f: {  	_ =	shalt  }
0x70: {  	_ =	shalt  }
0x71: {  	_ =	shalt  }
0x72: {  	_ =	shalt  }
0x73: {  	_ =	shalt  }
0x74: {  	_ =	shalt  }
0x75: {  	_ =	shalt  }
0x76: {  	_ =	shalt  }
0x77: {  	_ =	shalt  }
0x78: {  	_ =	shalt  }
0x79: {  	_ =	shalt  }
0x7a: {  	_ =	shalt  }
0x7b: {  	_ =	shalt  }
0x7c: {  	_ =	shalt  }
0x7d: {  	_ =	shalt  }
0x7e: {  	_ =	shalt  }
0x7f: {  	_ =	shalt  }
0x80: {  	_ =	shalt  }
0x81: {  	_ =	shalt  }
0x82: {  	_ =	shalt  }
0x83: {  	_ =	shalt  }
0x84: {  	_ =	shalt  }
0x85: {  	_ =	shalt  }
0x86: {  	_ =	shalt  }
0x87: {  	_ =	shalt  }
.Lfunc_end0:
.L_simem_size_0:
called_computation_lowered:
.L_overlay_start_0:
0x88: {  	s0 =	sld [smem:$0x3FD9]  }
0x89: {  	s1 =	sld [smem:$0x3FFE];
	_ =	sdelay $0x3  }
0x8a: {  	s0 =	sadd.s32 s1, s0  }
0x8b: {  	[smem:$0x3FC0] =	sst s0  }
0x8c: {  	_ = 	snop  }
0x8d: {  	s0 =	sld [smem:$0x3FD0];
	(tm) =	ssettm $0x1  }
0x8e: {  	s16 =	sld [smem:$0x3FFB];
	_ =	sdelay $0x3  }
0x8f: {  	_ =	strace s16  }
0x90: {  	s1 =	sld [smem:$0x3FFC];
	_ =	sdelay $0x3  }
0x91: {  	_ =	strace s1  }
0x92: {  	s1 =	sld [smem:$0x3FFD];
	_ =	sdelay $0x3  }
0x93: {  	_ =	strace s1  }
0x94: {  	_ =	strace $0x8FFFFFFF  }
0x95: {  	s17 =	sld [smem:$0x3FDB];
	_ =	sdelay $0x1  }
0x96: {  	s2 =	simm.s32 $_scs_section_size  }
0x97: {  	s3 =	simm.s32 $_size__tile_overlayer_lowered;
	s4 =	simm.s32 $_tile_overlayer_lowered  }
0x98: {  	s20 =	simm.s32 $0x1BFF;
	s19 =	sshll.u32 s4, $0x1;
	s1 =	sadd.s32 s2, s17  }
0x99: {  	s5 =	simm.s32 $0x0;
	s18 =	sshll.u32 s3, $0x1;
	s3 =	sadd.s32 s19, s1  }
0x9a: {  	[timem:s5], [sflag:s20] =	dma.local [hbm:s3], s18  }
0x9b: {  	_ =	swait.ge [sflag:s20], s18  }
0x9c: {  	s2 =	ssub.s32 $0x0, s18;
	[sflag:s20] =	ssyncset.done $0x0  }
0x9d: {  	[sflag:s20] =	ssyncadd.s32 s2;
	_ =	sdelay $0x1  }
0x9e: {  	s21 =	simm.s32 $0x1B8B  }
0x9f: {  	_ =	swait.ge [sflag:s21], $0x1  }
0xa0: {  	[sflag:s21] =	ssyncset.done $0x0  }
0xa1: {  	s23 =	simm.s32 $0x1B8E;
	s22 =	sld [smem:$0x3FFE];
	[sflag:s21] =	ssyncadd.s32 $0xFFFFFFFF  }
0xa2: {  	s24 =	simm.s32 $execute0_lowered;
	[smem:$0x3FD2] =	sst s23  }
0xa3: {  	s3 =	sshll.u32 s24, $0x1;
	_ =	strace $0x80000046;
	[dreg:$0x1] =	wrdreg $0xFFFFFFFF  }
0xa4: {  	s25 =	simm.s32 $_size_execute0_lowered;
	s1 =	sadd.s32 s1, s3;
	[dreg:$0x0] =	wrdreg $0x0  }
0xa5: {  	s3 =	sshll.u32 s25, $0x1;
	[dreg:$0x2] =	wrdreg s1  }
0xa6: {  	[dreg:$0x3] =	wrdreg s3  }
0xa7: {  	[dreg:$0x4] =	wrdreg $0xC0  }
0xa8: {  	_ =	task [dreg:s5], $0x5FFFF  }
0xa9: {  	[dreg:$0x1] =	wrdreg $0xFFFFFFFF  }
0xaa: {  	[dreg:$0x0] =	wrdreg $0x60  }
0xab: {  	[dreg:$0x2] =	wrdreg s22  }
0xac: {  	[dreg:$0x3] =	wrdreg s0  }
0xad: {  	[dreg:$0x4] =	wrdreg $0xC6800  }
0xae: {  	[dreg:$0x5] =	wrdreg $0x9  }
0xaf: {  	_ =	task.clear_ibuf [dreg:s5], $0x6FFFF;
	_ =	strace $0x90000046  }
0xb0: {  	s26 =	simm.s32 $0x9;
	_ =	strace $0x80000048  }
0xb1: {  	_ =	swait.ge [sflag:s26], $0x1  }
0xb2: {  	[sflag:s26] =	ssyncadd.s32 $0xFFFFFFFF  }
0xb3: {  	_ =	strace $0x90000048  }
0xb4: {  	_ =	sfence  }
0xb5: {  	s28 =	sld [smem:$0x0];
	_ =	sdelay $0x1  }
0xb6: {  	s29 =	srdreg.scid  }
0xb7: {  	s30 =	sshll.u32 s29, $0xD;
	s31 =	sshrl.u32 s29, $0x2  }
0xb8: {  	s2 =	sand.u32 $0x4000, s30;
	s1 =	sand.u32 $0x1, s29;
	s0 =	sadd.s32 s31, s28  }
0xb9: {  	s1 =	sor.u32 s2, s1;
	s0 =	sshll.u32 s0, $0x11  }
0xba: {  	s0 =	sor.u32 s0, s1  }
0xbb: {  	s0 =	sadd.s32 $0x8F2B, s0  }
0xbc: {  	[sflag:s0] =	ssyncadd.remote.s32 $0x1  }
0xbd: {  	_ =	sfence.sel $0xFFFF  }
0xbe: {  	[dreg:$0x0] =	wrdreg $0xFFFFFFFF;
	(pc) =	sbr.abs _section_cstart, $3  }
0xbf: {  	[dreg:$0x1] =	wrdreg $0xFFFFFFFF  }
0xc0: {  	_ =	task.clear_ibuf [dreg:s5], $0x2FFFF;
	_ =	strace $0x9FFFFFFF  }
0xc1: {  	(tm) =	ssettm $0x7FFFFFFF  }
tec
execute0_lowered:
.L_overlay_start_1:
0x0: {  	(tag) =	ssettag $0x1  }
0x1: {  	s2 =	rddreg [dreg:$0x0]  }
0x2: {  	s5 =	rddreg [dreg:$0x1];
	s1 =	stileid.u32  }
0x3: {  	s3 =	rddreg [dreg:$0x2];
	s6 =	smul.u32 $0x340, s1  }
0x4: {  	s0 =	rddreg [dreg:$0x3];
	s4 =	simm.s32 $0x0  }
0x5: {  	[smem:$0x7FF] =	sst s4;
	s7 =	sadd.s32 s6, s2  }
0x6: {  	s28 =	simm.s32 $0x1;
	_ =	strace $0x80000047;
	s7 =	sadd.s32 $0x1E00, s7  }
0x7: {  	[tilespmem:s4], [sflag:$0x1] =	stream.linear.gather [hbm4b:s7+s4], $0x1A00, $0x38;
	[tilespmem:$0xCA90] =	vst v63  }
0x8: {  	_ =	swait.ge [sflag:s28], $0x1A00  }
0x9: {  	[sflag:s28] =	ssyncset.done $0x0  }
0xa: {  	s29 =	simm.s32 $0x1A00;
	s5 =	sadd.s32 s5, s6;
	[sflag:s28] =	ssyncadd.s32 $0xFFFFE600  }
0xb: {  	[tilespmem:s29], [sflag:$0x1] =	stream.linear.gather [hbm4b:s5+s4], $0x1A00, $0x38;
	[tilespmem:$0xCA90] =	vst v63  }
0xc: {  	_ =	swait.ge [sflag:s28], $0x1A00  }
0xd: {  	[sflag:s28] =	ssyncset.done $0x0  }
0xe: {  	s31 =	simm.s32 $0xC600;
	s30 =	sadd.s32 $0x5200, s2;
	[sflag:s28] =	ssyncadd.s32 $0xFFFFE600  }
0xf: {  	[tilespmem:s31], [sflag:$0x1] =	stream.linear.gather [hbm4b:s30+s4], $0x10, $0x38;
	[tilespmem:$0xCA90] =	vst v63  }
0x10: {  	_ =	swait.ge [sflag:s28], $0x10  }
0x11: {  	[sflag:s28] =	ssyncset.done $0x0  }
0x12: {  	[sflag:s28] =	ssyncadd.s32 $0xFFFFFFF0  }
0x13: {  	v1 =	vimm.f32 $0.0e+00;
	s2 =	sadd.s32 $0x5400, s2;
	v0 =	vld [tilespmem:$0xC600]  }
.LBB2_1:
0x14: {  	p0 =	sne.s32 s4, $0x103C0  }
.Ltmp0:
0x15: {  	_ = 	snop;
	(pc) =	sbr.rel @p0 .LBB2_1-.Ltmp0, $3  }
0x16: {  	_ =	sdelay $0x1  }
0x17: {  	s5 =	sshra.s32 s4, $0x2  }
0x18: {  	s4 =	sadd.s32 $0x40, s4;
	[tilespmem:s5+$0x3400] =	vst v1  }
0x19: {  	v1 =	vlaneseq.u32  }
0x1a: {  	s4 =	simm.s32 $0x3400;
	s6 =	simm.s32 $0x0;
	s5 =	simm.s32 $0x40;
	v1 =	vmul.u32 $0x410, v1  }
.LBB2_3:
0x1b: {  	p0 =	sne.s32 s5, $0x67C0;
	v2 =	vld [tilespmem:s6+$0x0];
	_ =	sdelay $0x4  }
0x1c: {  	v2 =	vsub.f32 v2, v0;
	_ =	sdelay $0x1  }
0x1d: {  	v2 =	vmul.f32 $1.442695020e+00, v2;
	_ =	sdelay $0x1  }
0x1e: {  	v3 =	vld [tilespmem:s6+$0x1A00];
	(erf) = vpow2.f32 v2;
	_ =	sdelay $0x4  }
0x1f: {  	v2 =	vadd.s32 v1, v3  }
.Ltmp1:
0x20: {  	(pc) =	sbr.rel @p0 .LBB2_3-.Ltmp1, $3  }
0x21: {  	_ =	sdelay $0x1  }
0x22: {  	v3 =	vpop (erf)  }
0x23: {  	s6 =	sshra.s32 s5, $0x2;
	s5 =	sadd.s32 $0x40, s5;
	[tilespmem:v2+s4+$0x0] =	vst.idx.add.f32.msk $0xffff, v3  }
0x24: {  	v2 =	vld [tilespmem:s6+$0x0];
	_ =	sdelay $0x4  }
0x25: {  	v0 =	vsub.f32 v2, v0;
	_ =	sdelay $0x1  }
0x26: {  	v0 =	vmul.f32 $1.442695020e+00, v0;
	_ =	sdelay $0x1  }
0x27: {  	v2 =	vld [tilespmem:s6+$0x1A00];
	(erf) = vpow2.f32 v0;
	_ =	sdelay $0x4  }
0x28: {  	v0 =	vadd.s32 v1, v2;
	_ =	sdelay $0x3  }
0x29: {  	v1 =	vpop (erf)  }
0x2a: {  	s31 =	simm.s32 $0x5890;
	[tilespmem:v0+s4+$0x0] =	vst.idx.add.f32.msk $0xffff, v1  }
0x2b: {  	v0 =	vld [tilespmem:s31+$0xFFFFDB70];
	_ =	sdelay $0x1  }
0x2c: {  	v1 =	vld [tilespmem:s31+$0xFFFFDF80];
	_ =	sdelay $0x1  }
0x2d: {  	v2 =	vld [tilespmem:s31+$0xFFFFE390]  }
0x2e: {  	v0 =	vadd.f32 $0.0e+00, v0  }
0x2f: {  	v3 =	vld [tilespmem:s31+$0xFFFFE7A0]  }
0x30: {  	v0 =	vadd.f32 v1, v0  }
0x31: {  	v1 =	vld [tilespmem:s31+$0xFFFFEBB0]  }
0x32: {  	v0 =	vadd.f32 v2, v0  }
0x33: {  	v2 =	vld [tilespmem:s31+$0xFFFFEFC0]  }
0x34: {  	v0 =	vadd.f32 v3, v0  }
0x35: {  	v3 =	vld [tilespmem:s31+$0xFFFFF3D0]  }
0x36: {  	v0 =	vadd.f32 v1, v0  }
0x37: {  	s5 =	simm.s32 $0x0;
	v1 =	vld [tilespmem:s31+$0xFFFFF7E0]  }
0x38: {  	s5 =	sand.u32 $0x7F0, s5;
	v0 =	vadd.f32 v2, v0  }
0x39: {  	v2 =	vld [tilespmem:s5+$0x5480]  }
0x3a: {  	v0 =	vadd.f32 v3, v0  }
0x3b: {  	v3 =	vld [tilespmem:s31+$0x0]  }
0x3c: {  	v0 =	vadd.f32 v1, v0  }
0x3d: {  	v1 =	vld [tilespmem:s31+$0x410]  }
0x3e: {  	v0 =	vadd.f32 v2, v0  }
0x3f: {  	v2 =	vld [tilespmem:s31+$0x820]  }
0x40: {  	v0 =	vadd.f32 v3, v0  }
0x41: {  	v3 =	vld [tilespmem:s31+$0xC30]  }
0x42: {  	v0 =	vadd.f32 v1, v0  }
0x43: {  	v1 =	vld [tilespmem:s31+$0x1040]  }
0x44: {  	v0 =	vadd.f32 v2, v0  }
0x45: {  	v2 =	vld [tilespmem:s31+$0x1450]  }
0x46: {  	v0 =	vadd.f32 v3, v0  }
0x47: {  	v3 =	vld [tilespmem:s31+$0x1860]  }
0x48: {  	v0 =	vadd.f32 v1, v0;
	_ =	sdelay $0x1  }
0x49: {  	v0 =	vadd.f32 v2, v0;
	_ =	sdelay $0x1  }
0x4a: {  	v0 =	vadd.f32 v3, v0  }
0x4b: {  	s4 =	simm.s32 $0x7500  }
0x4c: {  	s5 =	simm.s32 $0x58A0;
	[tilespmem:s4+$0x0] =	vst v0  }
0x4d: {  	s7 =	simm.s32 $0x20;
	s6 =	simm.s32 $0x10;
	v0 =	vld [tilespmem:s5+$0xFFFFDB70]  }
.LBB2_5:
0x4e: {  	p0 =	sne.s32 s7, $0x400  }
0x4f: {  	v1 =	vld [tilespmem:s5+$0xFFFFDF80];
	_ =	sdelay $0x1  }
0x50: {  	v2 =	vld [tilespmem:s5+$0xFFFFE390]  }
0x51: {  	v0 =	vadd.f32 $0.0e+00, v0  }
0x52: {  	v3 =	vld [tilespmem:s5+$0xFFFFE7A0]  }
0x53: {  	v0 =	vadd.f32 v1, v0  }
0x54: {  	v1 =	vld [tilespmem:s5+$0xFFFFEBB0]  }
0x55: {  	v0 =	vadd.f32 v2, v0  }
0x56: {  	v2 =	vld [tilespmem:s5+$0xFFFFEFC0]  }
0x57: {  	v0 =	vadd.f32 v3, v0  }
0x58: {  	v3 =	vld [tilespmem:s5+$0xFFFFF3D0]  }
0x59: {  	v0 =	vadd.f32 v1, v0  }
0x5a: {  	v1 =	vld [tilespmem:s5+$0xFFFFF7E0]  }
0x5b: {  	s8 =	sand.u32 $0x7F0, s6;
	s6 =	smov.u32 s7;
	v0 =	vadd.f32 v2, v0  }
0x5c: {  	v2 =	vld [tilespmem:s8+$0x5480]  }
0x5d: {  	v0 =	vadd.f32 v3, v0  }
0x5e: {  	v3 =	vld [tilespmem:s5+$0x0]  }
0x5f: {  	v0 =	vadd.f32 v1, v0  }
0x60: {  	v1 =	vld [tilespmem:s5+$0x410]  }
0x61: {  	v0 =	vadd.f32 v2, v0  }
0x62: {  	v2 =	vld [tilespmem:s5+$0x820]  }
0x63: {  	v0 =	vadd.f32 v3, v0  }
0x64: {  	v3 =	vld [tilespmem:s5+$0xC30]  }
0x65: {  	v0 =	vadd.f32 v1, v0  }
0x66: {  	v1 =	vld [tilespmem:s5+$0x1040]  }
0x67: {  	v0 =	vadd.f32 v2, v0  }
0x68: {  	v2 =	vld [tilespmem:s5+$0x1450]  }
0x69: {  	v0 =	vadd.f32 v3, v0  }
0x6a: {  	v3 =	vld [tilespmem:s5+$0x1860]  }
0x6b: {  	v0 =	vadd.f32 v1, v0;
	_ =	sdelay $0x1  }
0x6c: {  	v0 =	vadd.f32 v2, v0  }
.Ltmp2:
0x6d: {  	(pc) =	sbr.rel @p0 .LBB2_5-.Ltmp2, $4  }
0x6e: {  	v0 =	vadd.f32 v3, v0  }
0x6f: {  	s4 =	sadd.s32 $0x10, s4  }
0x70: {  	s5 =	sadd.s32 $0x10, s5;
	[tilespmem:s4+$0x0] =	vst v0  }
0x71: {  	s7 =	sadd.s32 $0x10, s7;
	v0 =	vld [tilespmem:s5+$0xFFFFDB70]  }
0x72: {  	_ = 	snop  }
0x73: {  	v1 =	vld [tilespmem:s5+$0xFFFFDF80];
	_ =	sdelay $0x1  }
0x74: {  	v2 =	vld [tilespmem:s5+$0xFFFFE390]  }
0x75: {  	v0 =	vadd.f32 $0.0e+00, v0  }
0x76: {  	v3 =	vld [tilespmem:s5+$0xFFFFE7A0]  }
0x77: {  	v0 =	vadd.f32 v1, v0  }
0x78: {  	v1 =	vld [tilespmem:s5+$0xFFFFEBB0]  }
0x79: {  	v0 =	vadd.f32 v2, v0  }
0x7a: {  	v2 =	vld [tilespmem:s5+$0xFFFFEFC0]  }
0x7b: {  	v0 =	vadd.f32 v3, v0  }
0x7c: {  	v3 =	vld [tilespmem:s5+$0xFFFFF3D0]  }
0x7d: {  	v0 =	vadd.f32 v1, v0  }
0x7e: {  	v1 =	vld [tilespmem:s5+$0xFFFFF7E0]  }
0x7f: {  	s6 =	sand.u32 $0x7F0, s6;
	v0 =	vadd.f32 v2, v0  }
0x80: {  	v2 =	vld [tilespmem:s6+$0x5480]  }
0x81: {  	v0 =	vadd.f32 v3, v0  }
0x82: {  	v3 =	vld [tilespmem:s5+$0x0]  }
0x83: {  	v0 =	vadd.f32 v1, v0  }
0x84: {  	v1 =	vld [tilespmem:s5+$0x410]  }
0x85: {  	v0 =	vadd.f32 v2, v0  }
0x86: {  	v2 =	vld [tilespmem:s5+$0x820]  }
0x87: {  	v0 =	vadd.f32 v3, v0  }
0x88: {  	v3 =	vld [tilespmem:s5+$0xC30]  }
0x89: {  	v0 =	vadd.f32 v1, v0  }
0x8a: {  	v1 =	vld [tilespmem:s5+$0x1040]  }
0x8b: {  	v0 =	vadd.f32 v2, v0  }
0x8c: {  	v2 =	vld [tilespmem:s5+$0x1450]  }
0x8d: {  	v0 =	vadd.f32 v3, v0  }
0x8e: {  	v3 =	vld [tilespmem:s5+$0x1860]  }
0x8f: {  	v0 =	vadd.f32 v1, v0;
	_ =	sdelay $0x1  }
0x90: {  	s21 =	sshrl.u32 s1, $0x3;
	v0 =	vadd.f32 v2, v0  }
0x91: {  	s5 =	smul.u32 $0x9000, s21  }
0x92: {  	s4 =	sadd.s32 $0x10, s4;
	s22 =	sshll.u32 s1, $0x7;
	v0 =	vadd.f32 v3, v0  }
0x93: {  	s24 =	simm.s32 $0x80;
	s25 =	simm.s32 $0x400;
	s5 =	sshrl.u32 s5, $0x2  }
0x94: {  	s7 =	simm.s32 $0x7500;
	s23 =	sand.u32 $0x380, s22;
	s5 =	sadd.s32 s5, s3;
	[tilespmem:s4+$0x0] =	vst v0  }
0x95: {  	s26 =	simm.s32 $0x1;
	s4 =	sadd.s32 s23, s5;
	[bflag:$0x0] =	sbarrier.arrive $0xFFFF  }
0x96: {  	[spmem:s4] =	stream.strided.scatter [tilespmem:s7], [sflag:$0x1], $0x480, s25, s24, $0x38;
	[tilespmem:$0xCA90] =	vst v63  }
0x97: {  	_ =	swait.ge [sflag:s26], $0x480  }
0x98: {  	[sflag:s26] =	ssyncset.done $0x0  }
0x99: {  	[sflag:s26] =	ssyncadd.s32 $0xFFFFFB80  }
0x9a: {  	s28 =	simm.s32 $0x7980;
	[bflag:$0x0] =	sbarrier.arrive $0xFFFF  }
0x9b: {  	[tilespmem:s28], [sflag:$0x1] =	stream.linear.gather [spmem:s3], $0x4800, $0x38;
	[tilespmem:$0xCA90] =	vst v63  }
0x9c: {  	s29 =	simm.s32 $0x0;
	_ =	swait.ge [sflag:s26], $0x4800  }
0x9d: {  	s30 =	sand.u32 $0x70, s29;
	s3 =	sand.u32 $0x3C00, s29;
	[sflag:s26] =	ssyncset.done $0x0  }
0x9e: {  	s3 =	sor.u32 s30, s3;
	[sflag:s26] =	ssyncadd.s32 $0xFFFFB800  }
0x9f: {  	v0 =	vld [tilespmem:s3+$0x7980];
	_ =	sdelay $0x1  }
0xa0: {  	v1 =	vld [tilespmem:s3+$0x7A00];
	_ =	sdelay $0x1  }
0xa1: {  	v2 =	vld [tilespmem:s3+$0x7A80]  }
0xa2: {  	v0 =	vadd.f32 $0.0e+00, v0  }
0xa3: {  	v3 =	vld [tilespmem:s3+$0x7B00]  }
0xa4: {  	v0 =	vadd.f32 v1, v0  }
0xa5: {  	v1 =	vld [tilespmem:s3+$0x7B80]  }
0xa6: {  	v0 =	vadd.f32 v2, v0  }
0xa7: {  	v2 =	vld [tilespmem:s3+$0x7C00]  }
0xa8: {  	v0 =	vadd.f32 v3, v0  }
0xa9: {  	v3 =	vld [tilespmem:s3+$0x7C80]  }
0xaa: {  	v0 =	vadd.f32 v1, v0  }
0xab: {  	v1 =	vld [tilespmem:s3+$0x7D00]  }
0xac: {  	v0 =	vadd.f32 v2, v0  }
0xad: {  	v2 =	vld [tilespmem:s3+$0x9D80]  }
0xae: {  	v0 =	vadd.f32 v3, v0  }
0xaf: {  	v3 =	vld [tilespmem:s3+$0x9E00]  }
0xb0: {  	v0 =	vadd.f32 v1, v0  }
0xb1: {  	v1 =	vld [tilespmem:s3+$0x9E80]  }
0xb2: {  	v0 =	vadd.f32 v2, v0  }
0xb3: {  	v2 =	vld [tilespmem:s3+$0x9F00]  }
0xb4: {  	v0 =	vadd.f32 v3, v0  }
0xb5: {  	v3 =	vld [tilespmem:s3+$0x9F80]  }
0xb6: {  	v0 =	vadd.f32 v1, v0  }
0xb7: {  	v1 =	vld [tilespmem:s3+$0xA000]  }
0xb8: {  	v0 =	vadd.f32 v2, v0  }
0xb9: {  	v2 =	vld [tilespmem:s3+$0xA080]  }
0xba: {  	v0 =	vadd.f32 v3, v0  }
0xbb: {  	v3 =	vld [tilespmem:s3+$0xA100]  }
0xbc: {  	v0 =	vadd.f32 v1, v0;
	_ =	sdelay $0x1  }
0xbd: {  	v0 =	vadd.f32 v2, v0  }
0xbe: {  	s31 =	simm.s32 $0x10  }
0xbf: {  	s6 =	sand.u32 $0x70, s31;
	s4 =	simm.s32 $0x80;
	v0 =	vadd.f32 v3, v0  }
0xc0: {  	s5 =	simm.s32 $0x20;
	s7 =	sand.u32 $0x3C00, s4;
	s3 =	simm.s32 $0xC180  }
.LBB2_7:
0xc1: {  	p0 =	sne.s32 s5, $0x400;
	s6 =	sor.u32 s6, s7;
	[tilespmem:s3+$0x0] =	vst v0  }
0xc2: {  	v0 =	vld [tilespmem:s6+$0x7980];
	_ =	sdelay $0x1  }
0xc3: {  	v1 =	vld [tilespmem:s6+$0x7A00];
	_ =	sdelay $0x1  }
0xc4: {  	v2 =	vld [tilespmem:s6+$0x7A80]  }
0xc5: {  	v0 =	vadd.f32 $0.0e+00, v0  }
0xc6: {  	v3 =	vld [tilespmem:s6+$0x7B00]  }
0xc7: {  	v0 =	vadd.f32 v1, v0  }
0xc8: {  	v1 =	vld [tilespmem:s6+$0x7B80]  }
0xc9: {  	v0 =	vadd.f32 v2, v0  }
0xca: {  	v2 =	vld [tilespmem:s6+$0x7C00]  }
0xcb: {  	v0 =	vadd.f32 v3, v0  }
0xcc: {  	v3 =	vld [tilespmem:s6+$0x7C80]  }
0xcd: {  	v0 =	vadd.f32 v1, v0  }
0xce: {  	v1 =	vld [tilespmem:s6+$0x7D00]  }
0xcf: {  	v0 =	vadd.f32 v2, v0  }
0xd0: {  	v2 =	vld [tilespmem:s6+$0x9D80]  }
0xd1: {  	v0 =	vadd.f32 v3, v0  }
0xd2: {  	v3 =	vld [tilespmem:s6+$0x9E00]  }
0xd3: {  	v0 =	vadd.f32 v1, v0  }
0xd4: {  	v1 =	vld [tilespmem:s6+$0x9E80]  }
0xd5: {  	v0 =	vadd.f32 v2, v0  }
0xd6: {  	v2 =	vld [tilespmem:s6+$0x9F00]  }
0xd7: {  	v0 =	vadd.f32 v3, v0  }
0xd8: {  	v3 =	vld [tilespmem:s6+$0x9F80]  }
0xd9: {  	v0 =	vadd.f32 v1, v0  }
0xda: {  	v1 =	vld [tilespmem:s6+$0xA000]  }
0xdb: {  	v0 =	vadd.f32 v2, v0  }
0xdc: {  	v2 =	vld [tilespmem:s6+$0xA080]  }
0xdd: {  	v0 =	vadd.f32 v3, v0  }
0xde: {  	v3 =	vld [tilespmem:s6+$0xA100]  }
0xdf: {  	v0 =	vadd.f32 v1, v0  }
.Ltmp3:
0xe0: {  	(pc) =	sbr.rel @p0 .LBB2_7-.Ltmp3, $3  }
0xe1: {  	v0 =	vadd.f32 v2, v0;
	_ =	sdelay $0x1  }
0xe2: {  	s4 =	sadd.s32 $0x80, s4;
	s3 =	sadd.s32 $0x10, s3;
	v0 =	vadd.f32 v3, v0  }
0xe3: {  	s7 =	sand.u32 $0x3C00, s4;
	s6 =	sand.u32 $0x70, s5;
	s5 =	sadd.s32 $0x10, s5  }
0xe4: {  	s4 =	sor.u32 s6, s7;
	[tilespmem:s3+$0x0] =	vst v0  }
0xe5: {  	v0 =	vld [tilespmem:s4+$0x7980];
	_ =	sdelay $0x1  }
0xe6: {  	v1 =	vld [tilespmem:s4+$0x7A00];
	_ =	sdelay $0x1  }
0xe7: {  	v2 =	vld [tilespmem:s4+$0x7A80]  }
0xe8: {  	v0 =	vadd.f32 $0.0e+00, v0  }
0xe9: {  	v3 =	vld [tilespmem:s4+$0x7B00]  }
0xea: {  	v0 =	vadd.f32 v1, v0  }
0xeb: {  	v52 =	vld [tilespmem:s4+$0x7B80]  }
0xec: {  	v0 =	vadd.f32 v2, v0  }
0xed: {  	v53 =	vld [tilespmem:s4+$0x7C00]  }
0xee: {  	v0 =	vadd.f32 v3, v0  }
0xef: {  	v54 =	vld [tilespmem:s4+$0x7C80]  }
0xf0: {  	v0 =	vadd.f32 v52, v0  }
0xf1: {  	v55 =	vld [tilespmem:s4+$0x7D00]  }
0xf2: {  	v0 =	vadd.f32 v53, v0  }
0xf3: {  	v56 =	vld [tilespmem:s4+$0x9D80]  }
0xf4: {  	v0 =	vadd.f32 v54, v0  }
0xf5: {  	v57 =	vld [tilespmem:s4+$0x9E00]  }
0xf6: {  	v0 =	vadd.f32 v55, v0  }
0xf7: {  	v58 =	vld [tilespmem:s4+$0x9E80]  }
0xf8: {  	v0 =	vadd.f32 v56, v0  }
0xf9: {  	v59 =	vld [tilespmem:s4+$0x9F00]  }
0xfa: {  	v0 =	vadd.f32 v57, v0  }
0xfb: {  	v60 =	vld [tilespmem:s4+$0x9F80]  }
0xfc: {  	v0 =	vadd.f32 v58, v0  }
0xfd: {  	v61 =	vld [tilespmem:s4+$0xA000]  }
0xfe: {  	v0 =	vadd.f32 v59, v0  }
0xff: {  	v62 =	vld [tilespmem:s4+$0xA080]  }
0x100: {  	v0 =	vadd.f32 v60, v0  }
0x101: {  	v63 =	vld [tilespmem:s4+$0xA100]  }
0x102: {  	v0 =	vadd.f32 v61, v0;
	_ =	sdelay $0x1  }
0x103: {  	v0 =	vadd.f32 v62, v0;
	_ =	sdelay $0x1  }
0x104: {  	v0 =	vadd.f32 v63, v0  }
0x105: {  	s31 =	sadd.s32 $0x10, s3  }
0x106: {  	p0 =	sne.s32 s1, $0x0;
	[tilespmem:s31+$0x0] =	vst v0  }
0x107: {  	_ =	sfence.sel @p0 $0x180000  }
0x108: {  	[bflag:$0x0] =	sbarrier.arrive @p0 $0xFFFF  }
0x109: {  	_ =	strace @p0 $0x90000047  }
0x10a: {  	s1 =	simm.s32 @!p0 $0x0;
	s3 =	simm.s32 @!p0 $0xC180;
	[bflag:$0x2] =	sbarrier.arrive @p0 $0xFFFF  }
0x10b: {  	[hbm4b:s2+s1] =	stream.linear.scatter @!p0 [tilespmem:s3], [sflag:$0x1], $0x400, $0x38;
	[tilespmem:$0xCA90] =	vst v63  }
0x10c: {  	s1 =	simm.s32 @!p0 $0x1  }
0x10d: {  	_ =	swait.ge @!p0 [sflag:s1], $0x400  }
0x10e: {  	[sflag:s1] =	ssyncset.done @!p0 $0x0  }
0x10f: {  	[sflag:s1] =	ssyncadd.s32 @!p0 $0xFFFFFC00  }
0x110: {  	_ =	sfence.sel @!p0 $0x180000  }
0x111: {  	[bflag:$0x0] =	sbarrier.arrive @!p0 $0xFFFF  }
0x112: {  	_ =	strace @!p0 $0x90000047  }
0x113: {  	s0 =	sadd.s32 @!p0 $0x100000, s0;
	[bflag:$0x2] =	sbarrier.arrive @!p0 $0xFFFF  }
0x114: {  	[sflag:s0] =	ssyncadd.tile.s32 @!p0 $0x1;
	_ =	shalt  }
.Lfunc_end2:
_tile_overlayer_lowered:
.L_overlay_start_2:
0x115: {  	(tag) =	ssettag $0x2  }
0x116: {  	s0 =	rddreg [dreg:$0x0];
	s2 =	stileid.u32  }
0x117: {  	s1 =	rddreg [dreg:$0x1];
	p0 =	sne.s32 s2, $0x0  }
0x118: {  	s3 =	rddreg [dreg:$0x2];
	[bflag:$0x3] =	sbarrier.arrive $0xFFFF;
	s2 =	simm.s32 @!p0 $0x1C01  }
0x119: {  	[timem:s3], [sflag:s2] =	dma.local @!p0 [hbm:s0], s1  }
0x11a: {  	s0 =	simm.s32 @!p0 $0x1  }
0x11b: {  	_ =	swait.ge @!p0 [sflag:s0], s1  }
0x11c: {  	s1 =	ssub.s32 @!p0 $0x0, s1;
	[sflag:s0] =	ssyncset.done @!p0 $0x0  }
0x11d: {  	[sflag:s0] =	ssyncadd.s32 @!p0 s1  }
0x11e: {  	[bflag:$0x3] =	sbarrier.arrive $0xFFFF  }
0x11f: {  	_ =	shalt  }

</sc_bundles>
